<compile_context>
chip_gen: v7x
topology: tpu7x:2x2x1
jax: 0.10.2.dev20260603
libtpu: 0.0.44.dev20260713+nightly
codegen_flags: <defaults>
</compile_context>

<pallas_src>
import functools

import jax
import jax.numpy as jnp
from jax import lax
from jax.experimental import pallas as pl
from jax.experimental.pallas import tpu as pltpu
from jax.experimental.pallas import tpu_sc as plsc

_V = 100000
_D = 64
_NI = 4096
_NJ = 200
_B = _NI * _NJ


def _idx_body(x_ref, idx_ref):
    v = (jnp.tanh(x_ref[...]) + 1.0) * (float(_V) / 2.0)
    idx_ref[...] = jnp.minimum(v.astype(jnp.int32), _V - 1)


def _compute_idx(x):
    return pl.pallas_call(
        _idx_body,
        out_shape=jax.ShapeDtypeStruct(x.shape, jnp.int32),
    )(x)


@functools.cache
def _make_gather(B, D):
    info = plsc.get_sparse_core_info()
    nc, ns = info.num_cores, info.num_subcores
    nw = nc * ns
    b_per_w = B // nw
    CH = 128
    n_ch = b_per_w // CH
    NBUF = 4
    LOOK = 3
    assert nw * b_per_w == B and CH * n_ch == b_per_w
    assert n_ch % NBUF == 0 and n_ch >= NBUF + LOOK
    n_groups = n_ch // NBUF
    mesh = plsc.VectorSubcoreMesh(core_axis_name="c", subcore_axis_name="s")

    @functools.partial(
        pl.kernel,
        mesh=mesh,
        out_type=jax.ShapeDtypeStruct((B, D), jnp.float32),
        scratch_types=[
            pltpu.VMEM((n_ch, CH), jnp.int32),
            pltpu.VMEM((NBUF, CH, D), jnp.float32),
        ]
        + [pltpu.SemaphoreType.DMA] * (2 * NBUF),
        compiler_params=pltpu.CompilerParams(use_tc_tiling_on_sc=False),
    )
    def gather(emb_hbm, idx_hbm, out_hbm, idx_v, rows_v, *sems):
        G = sems[:NBUF]
        W = sems[NBUF:]
        wid = lax.axis_index("s") * nc + lax.axis_index("c")
        base = wid * b_per_w
        pltpu.sync_copy(idx_hbm.at[wid], idx_v)

        def chunk_step(c, j, fire_pre, wait_wb):
            if fire_pre:
                j2 = (j + LOOK) % NBUF
                if wait_wb:
                    pltpu.make_async_copy(
                        rows_v.at[j2], out_hbm.at[pl.ds(base, CH)], W[j2]
                    ).wait()
                pltpu.make_async_copy(
                    emb_hbm.at[idx_v.at[c + LOOK]], rows_v.at[j2], G[j2]
                ).start()
            pltpu.make_async_copy(
                emb_hbm.at[idx_v.at[c]], rows_v.at[j], G[j]
            ).wait()
            pltpu.make_async_copy(
                rows_v.at[j], out_hbm.at[pl.ds(base + c * CH, CH)], W[j]
            ).start()

        for c in range(LOOK):
            pltpu.make_async_copy(
                emb_hbm.at[idx_v.at[c]], rows_v.at[c], G[c]
            ).start()
        for j in range(NBUF):
            chunk_step(j, j, fire_pre=j + LOOK < n_ch, wait_wb=j + LOOK >= NBUF)

        def group(g, carry):
            c0 = g * NBUF
            for j in range(NBUF):
                chunk_step(c0 + j, j, fire_pre=True, wait_wb=True)
            return carry

        lax.fori_loop(1, n_groups - 1, group, 0)

        for j in range(NBUF):
            c = n_ch - NBUF + j
            chunk_step(c, j, fire_pre=c + LOOK < n_ch, wait_wb=c + LOOK < n_ch)
        for c in range(n_ch - NBUF, n_ch):
            pltpu.make_async_copy(
                rows_v.at[c % NBUF], out_hbm.at[pl.ds(base, CH)], W[c % NBUF]
            ).wait()

    return gather


def kernel(x, emb):
    idx = _compute_idx(x).reshape(32, _B // 32 // 128, 128)
    out_lin = _make_gather(_B, _D)(emb, idx)
    return out_lin.reshape(_NI, _NJ, _D)

# --- scband reference (transcript-rebuilt; emitter-appended) ---
"""Pipeline reference for scband-continuous-embedding-layer-86079734546574 (READ-ONLY COPY).

The authoritative reference and input builder live on the scoring server;
editing this copy changes nothing except your own understanding.
"""

import jax, jax.numpy as jnp
import numpy as np

CHUNKS = 100000
EMBED_DIM = 64

def setup_inputs(seed: int = 0) -> dict:
    key = jax.random.key(seed)
    k1, k2 = jax.random.split(key)
    x = jax.random.normal(k1, (4096, 200), dtype=jnp.float32)
    emb = jax.random.normal(k2, (CHUNKS, EMBED_DIM), dtype=jnp.float32) * 0.02
    return {"x": x, "emb": emb}

def reference(x, emb):
    # idx = (tanh(x) + 1) * chunks / 2, truncated to integer (torch .long() truncates toward zero;
    # values here are >= 0 so truncation == floor)
    idx = ((jnp.tanh(x) + 1.0) * (float(CHUNKS) / 2.0)).astype(jnp.int32)
    e = jnp.take(emb, idx, axis=0)
    return e

if __name__ == "__main__":
    import jax
    _d = setup_inputs()
    print(jax.jit(kernel)(*tuple(_d.values())))

</pallas_src>

<mosaic_0001>
#map = affine_map<(d0, d1) -> (0, 0)>
#map1 = affine_map<(d0, d1) -> (0, 0, 0)>
module attributes {stable_mosaic.version = 14 : i64} {
  func.func @gather(%arg0: i32, %arg1: i32, %arg2: memref<100000x64xf32, #tpu.memory_space<hbm>>, %arg3: memref<32x200x128xi32, #tpu.memory_space<hbm>>, %arg4: memref<819200x64xf32, #tpu.memory_space<hbm>>, %arg5: memref<200x128xi32, #tpu.memory_space<vmem>>, %arg6: memref<4x128x64xf32, #tpu.memory_space<vmem>>, %arg7: memref<!tpu.dma_semaphore, #tpu.memory_space<semaphore_mem>>, %arg8: memref<!tpu.dma_semaphore, #tpu.memory_space<semaphore_mem>>, %arg9: memref<!tpu.dma_semaphore, #tpu.memory_space<semaphore_mem>>, %arg10: memref<!tpu.dma_semaphore, #tpu.memory_space<semaphore_mem>>, %arg11: memref<!tpu.dma_semaphore, #tpu.memory_space<semaphore_mem>>, %arg12: memref<!tpu.dma_semaphore, #tpu.memory_space<semaphore_mem>>, %arg13: memref<!tpu.dma_semaphore, #tpu.memory_space<semaphore_mem>>, %arg14: memref<!tpu.dma_semaphore, #tpu.memory_space<semaphore_mem>>) attributes {dimension_semantics = [#tpu.dimension_semantics<core_parallel>, #tpu.dimension_semantics<subcore_parallel>], iteration_bounds = array<i64: 2, 16>, scalar_prefetch = 0 : i64, scratch_operands = 10 : i64, tpu.core_type = #tpu.core_type<sc_vector_subcore>, window_params = [{transform_indices = #map}, {transform_indices = #map1}, {transform_indices = #map}]} {
    %mul3A = arith.constant 2 : i32
    %mul3A_0 = arith.muli %arg1, %mul3A : i32
    %add3A = arith.addi %mul3A_0, %arg0 : i32
    %mul3A_1 = arith.constant 25600 : i32
    %mul3A_2 = arith.muli %add3A, %mul3A_1 : i32
    "tpu.region"() ({
      %run_scoped3A = tpu.sem_alloc : memref<!tpu.dma_semaphore, #tpu.memory_space<semaphore_mem>>
      %dma_start3A_422 = arith.constant 0 : i32
      %dma_start3A_423 = arith.constant 0 : i32
      %dma_start3A_424 = tpu.memref_slice %arg3[%add3A, %dma_start3A_422, %dma_start3A_423] : memref<32x200x128xi32, #tpu.memory_space<hbm>> -> memref<1x200x128xi32, #tpu.memory_space<hbm>>
      %dma_start3A_425 = tpu.memref_squeeze %dma_start3A_424 : memref<1x200x128xi32, #tpu.memory_space<hbm>> -> memref<200x128xi32, #tpu.memory_space<hbm>>
      %dma_start3A_426 = arith.constant 0 : i32
      %dma_start3A_427 = arith.constant 0 : i32
      %dma_start3A_428 = tpu.memref_slice %arg3[%add3A, %dma_start3A_426, %dma_start3A_427] : memref<32x200x128xi32, #tpu.memory_space<hbm>> -> memref<1x200x128xi32, #tpu.memory_space<hbm>>
      %dma_start3A_429 = tpu.memref_squeeze %dma_start3A_428 : memref<1x200x128xi32, #tpu.memory_space<hbm>> -> memref<200x128xi32, #tpu.memory_space<hbm>>
      tpu.enqueue_dma source(%dma_start3A_429 : memref<200x128xi32, #tpu.memory_space<hbm>>) target(%arg5 : memref<200x128xi32, #tpu.memory_space<vmem>>) target_semaphore(%run_scoped3A : memref<!tpu.dma_semaphore, #tpu.memory_space<semaphore_mem>>)
      %dma_wait3A_430 = arith.constant 0 : i32
      %dma_wait3A_431 = arith.constant 0 : i32
      %dma_wait3A_432 = tpu.memref_slice %arg3[%add3A, %dma_wait3A_430, %dma_wait3A_431] : memref<32x200x128xi32, #tpu.memory_space<hbm>> -> memref<1x200x128xi32, #tpu.memory_space<hbm>>
      %dma_wait3A_433 = tpu.memref_squeeze %dma_wait3A_432 : memref<1x200x128xi32, #tpu.memory_space<hbm>> -> memref<200x128xi32, #tpu.memory_space<hbm>>
      %dma_wait3A_434 = arith.constant 0 : i32
      %dma_wait3A_435 = arith.constant 0 : i32
      %dma_wait3A_436 = tpu.memref_slice %arg3[%add3A, %dma_wait3A_434, %dma_wait3A_435] : memref<32x200x128xi32, #tpu.memory_space<hbm>> -> memref<1x200x128xi32, #tpu.memory_space<hbm>>
      %dma_wait3A_437 = tpu.memref_squeeze %dma_wait3A_436 : memref<1x200x128xi32, #tpu.memory_space<hbm>> -> memref<200x128xi32, #tpu.memory_space<hbm>>
      tpu.wait_dma2 semaphore(%run_scoped3A : memref<!tpu.dma_semaphore, #tpu.memory_space<semaphore_mem>>) src(%dma_wait3A_437 : memref<200x128xi32, #tpu.memory_space<hbm>>) dst(%arg5 : memref<200x128xi32, #tpu.memory_space<vmem>>)
      tpu.yield
    }) : () -> ()
    %dma_start3A = arith.constant 0 : i32
    %dma_start3A_3 = arith.constant 0 : i32
    %dma_start3A_4 = arith.constant 0 : i32
    %dma_start3A_5 = arith.constant 0 : i32
    %dma_start3A_6 = tpu.memref_slice %arg6[%dma_start3A_3, %dma_start3A_4, %dma_start3A_5] : memref<4x128x64xf32, #tpu.memory_space<vmem>> -> memref<1x128x64xf32, #tpu.memory_space<vmem>>
    %dma_start3A_7 = tpu.memref_squeeze %dma_start3A_6 : memref<1x128x64xf32, #tpu.memory_space<vmem>> -> memref<128x64xf32, #tpu.memory_space<vmem>>
    %dma_start3A_8 = arith.constant 0 : i32
    %dma_start3A_9 = tpu.memref_slice %arg5[%dma_start3A, %dma_start3A_8] : memref<200x128xi32, #tpu.memory_space<vmem>> -> memref<1x128xi32, #tpu.memory_space<vmem>>
    %dma_start3A_10 = tpu.memref_squeeze %dma_start3A_9 : memref<1x128xi32, #tpu.memory_space<vmem>> -> memref<128xi32, #tpu.memory_space<vmem>>
    %dma_start3A_11 = arith.constant 0 : i32
    %dma_start3A_12 = arith.constant 0 : i32
    %dma_start3A_13 = tpu.memref_slice %arg2[%dma_start3A_11, %dma_start3A_12] : memref<100000x64xf32, #tpu.memory_space<hbm>> -> memref<100000x64xf32, #tpu.memory_space<hbm>>
    tpu.enqueue_indirect_dma source(%dma_start3A_13 : memref<100000x64xf32, #tpu.memory_space<hbm>>) target(%dma_start3A_7 : memref<128x64xf32, #tpu.memory_space<vmem>>) offsets(%dma_start3A_10 : memref<128xi32, #tpu.memory_space<vmem>>) semaphore(%arg7 : memref<!tpu.dma_semaphore, #tpu.memory_space<semaphore_mem>>)
    %dma_start3A_14 = arith.constant 1 : i32
    %dma_start3A_15 = arith.constant 1 : i32
    %dma_start3A_16 = arith.constant 0 : i32
    %dma_start3A_17 = arith.constant 0 : i32
    %dma_start3A_18 = tpu.memref_slice %arg6[%dma_start3A_15, %dma_start3A_16, %dma_start3A_17] : memref<4x128x64xf32, #tpu.memory_space<vmem>> -> memref<1x128x64xf32, #tpu.memory_space<vmem>>
    %dma_start3A_19 = tpu.memref_squeeze %dma_start3A_18 : memref<1x128x64xf32, #tpu.memory_space<vmem>> -> memref<128x64xf32, #tpu.memory_space<vmem>>
    %dma_start3A_20 = arith.constant 0 : i32
    %dma_start3A_21 = tpu.memref_slice %arg5[%dma_start3A_14, %dma_start3A_20] : memref<200x128xi32, #tpu.memory_space<vmem>> -> memref<1x128xi32, #tpu.memory_space<vmem>>
    %dma_start3A_22 = tpu.memref_squeeze %dma_start3A_21 : memref<1x128xi32, #tpu.memory_space<vmem>> -> memref<128xi32, #tpu.memory_space<vmem>>
    %dma_start3A_23 = arith.constant 0 : i32
    %dma_start3A_24 = arith.constant 0 : i32
    %dma_start3A_25 = tpu.memref_slice %arg2[%dma_start3A_23, %dma_start3A_24] : memref<100000x64xf32, #tpu.memory_space<hbm>> -> memref<100000x64xf32, #tpu.memory_space<hbm>>
    tpu.enqueue_indirect_dma source(%dma_start3A_25 : memref<100000x64xf32, #tpu.memory_space<hbm>>) target(%dma_start3A_19 : memref<128x64xf32, #tpu.memory_space<vmem>>) offsets(%dma_start3A_22 : memref<128xi32, #tpu.memory_space<vmem>>) semaphore(%arg8 : memref<!tpu.dma_semaphore, #tpu.memory_space<semaphore_mem>>)
    %dma_start3A_26 = arith.constant 2 : i32
    %dma_start3A_27 = arith.constant 2 : i32
    %dma_start3A_28 = arith.constant 0 : i32
    %dma_start3A_29 = arith.constant 0 : i32
    %dma_start3A_30 = tpu.memref_slice %arg6[%dma_start3A_27, %dma_start3A_28, %dma_start3A_29] : memref<4x128x64xf32, #tpu.memory_space<vmem>> -> memref<1x128x64xf32, #tpu.memory_space<vmem>>
    %dma_start3A_31 = tpu.memref_squeeze %dma_start3A_30 : memref<1x128x64xf32, #tpu.memory_space<vmem>> -> memref<128x64xf32, #tpu.memory_space<vmem>>
    %dma_start3A_32 = arith.constant 0 : i32
    %dma_start3A_33 = tpu.memref_slice %arg5[%dma_start3A_26, %dma_start3A_32] : memref<200x128xi32, #tpu.memory_space<vmem>> -> memref<1x128xi32, #tpu.memory_space<vmem>>
    %dma_start3A_34 = tpu.memref_squeeze %dma_start3A_33 : memref<1x128xi32, #tpu.memory_space<vmem>> -> memref<128xi32, #tpu.memory_space<vmem>>
    %dma_start3A_35 = arith.constant 0 : i32
    %dma_start3A_36 = arith.constant 0 : i32
    %dma_start3A_37 = tpu.memref_slice %arg2[%dma_start3A_35, %dma_start3A_36] : memref<100000x64xf32, #tpu.memory_space<hbm>> -> memref<100000x64xf32, #tpu.memory_space<hbm>>
    tpu.enqueue_indirect_dma source(%dma_start3A_37 : memref<100000x64xf32, #tpu.memory_space<hbm>>) target(%dma_start3A_31 : memref<128x64xf32, #tpu.memory_space<vmem>>) offsets(%dma_start3A_34 : memref<128xi32, #tpu.memory_space<vmem>>) semaphore(%arg9 : memref<!tpu.dma_semaphore, #tpu.memory_space<semaphore_mem>>)
    %dma_start3A_38 = arith.constant 3 : i32
    %dma_start3A_39 = arith.constant 3 : i32
    %dma_start3A_40 = arith.constant 0 : i32
    %dma_start3A_41 = arith.constant 0 : i32
    %dma_start3A_42 = tpu.memref_slice %arg6[%dma_start3A_39, %dma_start3A_40, %dma_start3A_41] : memref<4x128x64xf32, #tpu.memory_space<vmem>> -> memref<1x128x64xf32, #tpu.memory_space<vmem>>
    %dma_start3A_43 = tpu.memref_squeeze %dma_start3A_42 : memref<1x128x64xf32, #tpu.memory_space<vmem>> -> memref<128x64xf32, #tpu.memory_space<vmem>>
    %dma_start3A_44 = arith.constant 0 : i32
    %dma_start3A_45 = tpu.memref_slice %arg5[%dma_start3A_38, %dma_start3A_44] : memref<200x128xi32, #tpu.memory_space<vmem>> -> memref<1x128xi32, #tpu.memory_space<vmem>>
    %dma_start3A_46 = tpu.memref_squeeze %dma_start3A_45 : memref<1x128xi32, #tpu.memory_space<vmem>> -> memref<128xi32, #tpu.memory_space<vmem>>
    %dma_start3A_47 = arith.constant 0 : i32
    %dma_start3A_48 = arith.constant 0 : i32
    %dma_start3A_49 = tpu.memref_slice %arg2[%dma_start3A_47, %dma_start3A_48] : memref<100000x64xf32, #tpu.memory_space<hbm>> -> memref<100000x64xf32, #tpu.memory_space<hbm>>
    tpu.enqueue_indirect_dma source(%dma_start3A_49 : memref<100000x64xf32, #tpu.memory_space<hbm>>) target(%dma_start3A_43 : memref<128x64xf32, #tpu.memory_space<vmem>>) offsets(%dma_start3A_46 : memref<128xi32, #tpu.memory_space<vmem>>) semaphore(%arg10 : memref<!tpu.dma_semaphore, #tpu.memory_space<semaphore_mem>>)
    %dma_wait3A = arith.constant 0 : i32
    %dma_wait3A_50 = arith.constant 0 : i32
    %dma_wait3A_51 = arith.constant 0 : i32
    %dma_wait3A_52 = arith.constant 0 : i32
    %dma_wait3A_53 = tpu.memref_slice %arg6[%dma_wait3A_50, %dma_wait3A_51, %dma_wait3A_52] : memref<4x128x64xf32, #tpu.memory_space<vmem>> -> memref<1x128x64xf32, #tpu.memory_space<vmem>>
    %dma_wait3A_54 = tpu.memref_squeeze %dma_wait3A_53 : memref<1x128x64xf32, #tpu.memory_space<vmem>> -> memref<128x64xf32, #tpu.memory_space<vmem>>
    %dma_wait3A_55 = arith.constant 0 : i32
    %dma_wait3A_56 = tpu.memref_slice %arg5[%dma_wait3A, %dma_wait3A_55] : memref<200x128xi32, #tpu.memory_space<vmem>> -> memref<1x128xi32, #tpu.memory_space<vmem>>
    %dma_wait3A_57 = tpu.memref_squeeze %dma_wait3A_56 : memref<1x128xi32, #tpu.memory_space<vmem>> -> memref<128xi32, #tpu.memory_space<vmem>>
    %dma_wait3A_58 = arith.constant 0 : i32
    %dma_wait3A_59 = arith.constant 0 : i32
    %dma_wait3A_60 = tpu.memref_slice %arg2[%dma_wait3A_58, %dma_wait3A_59] : memref<100000x64xf32, #tpu.memory_space<hbm>> -> memref<100000x64xf32, #tpu.memory_space<hbm>>
    tpu.wait_indirect_dma semaphore(%arg7 : memref<!tpu.dma_semaphore, #tpu.memory_space<semaphore_mem>>) src(%dma_wait3A_60 : memref<100000x64xf32, #tpu.memory_space<hbm>>) dst(%dma_wait3A_54 : memref<128x64xf32, #tpu.memory_space<vmem>>)
    %add3A_61 = arith.constant 0 : i32
    %add3A_62 = arith.addi %mul3A_2, %add3A_61 : i32
    %dma_start3A_63 = arith.constant 0 : i32
    %dma_start3A_64 = arith.constant 0 : i32
    %dma_start3A_65 = arith.constant 0 : i32
    %dma_start3A_66 = tpu.memref_slice %arg6[%dma_start3A_63, %dma_start3A_64, %dma_start3A_65] : memref<4x128x64xf32, #tpu.memory_space<vmem>> -> memref<1x128x64xf32, #tpu.memory_space<vmem>>
    %dma_start3A_67 = tpu.memref_squeeze %dma_start3A_66 : memref<1x128x64xf32, #tpu.memory_space<vmem>> -> memref<128x64xf32, #tpu.memory_space<vmem>>
    %dma_start3A_68 = arith.constant 0 : i32
    %dma_start3A_69 = tpu.memref_slice %arg4[%add3A_62, %dma_start3A_68] : memref<819200x64xf32, #tpu.memory_space<hbm>> -> memref<128x64xf32, #tpu.memory_space<hbm>>
    %dma_start3A_70 = arith.constant 0 : i32
    %dma_start3A_71 = tpu.memref_slice %arg4[%add3A_62, %dma_start3A_70] : memref<819200x64xf32, #tpu.memory_space<hbm>> -> memref<128x64xf32, #tpu.memory_space<hbm>>
    %dma_start3A_72 = arith.constant 0 : i32
    %dma_start3A_73 = arith.constant 0 : i32
    %dma_start3A_74 = tpu.memref_slice %arg6[%dma_start3A_63, %dma_start3A_72, %dma_start3A_73] : memref<4x128x64xf32, #tpu.memory_space<vmem>> -> memref<1x128x64xf32, #tpu.memory_space<vmem>>
    %dma_start3A_75 = tpu.memref_squeeze %dma_start3A_74 : memref<1x128x64xf32, #tpu.memory_space<vmem>> -> memref<128x64xf32, #tpu.memory_space<vmem>>
    tpu.enqueue_dma source(%dma_start3A_75 : memref<128x64xf32, #tpu.memory_space<vmem>>) target(%dma_start3A_71 : memref<128x64xf32, #tpu.memory_space<hbm>>) target_semaphore(%arg11 : memref<!tpu.dma_semaphore, #tpu.memory_space<semaphore_mem>>)
    %dma_wait3A_76 = arith.constant 0 : i32
    %dma_wait3A_77 = arith.constant 0 : i32
    %dma_wait3A_78 = arith.constant 0 : i32
    %dma_wait3A_79 = tpu.memref_slice %arg6[%dma_wait3A_76, %dma_wait3A_77, %dma_wait3A_78] : memref<4x128x64xf32, #tpu.memory_space<vmem>> -> memref<1x128x64xf32, #tpu.memory_space<vmem>>
    %dma_wait3A_80 = tpu.memref_squeeze %dma_wait3A_79 : memref<1x128x64xf32, #tpu.memory_space<vmem>> -> memref<128x64xf32, #tpu.memory_space<vmem>>
    %dma_wait3A_81 = arith.constant 0 : i32
    %dma_wait3A_82 = tpu.memref_slice %arg4[%mul3A_2, %dma_wait3A_81] : memref<819200x64xf32, #tpu.memory_space<hbm>> -> memref<128x64xf32, #tpu.memory_space<hbm>>
    %dma_wait3A_83 = arith.constant 0 : i32
    %dma_wait3A_84 = tpu.memref_slice %arg4[%mul3A_2, %dma_wait3A_83] : memref<819200x64xf32, #tpu.memory_space<hbm>> -> memref<128x64xf32, #tpu.memory_space<hbm>>
    %dma_wait3A_85 = arith.constant 0 : i32
    %dma_wait3A_86 = arith.constant 0 : i32
    %dma_wait3A_87 = tpu.memref_slice %arg6[%dma_wait3A_76, %dma_wait3A_85, %dma_wait3A_86] : memref<4x128x64xf32, #tpu.memory_space<vmem>> -> memref<1x128x64xf32, #tpu.memory_space<vmem>>
    %dma_wait3A_88 = tpu.memref_squeeze %dma_wait3A_87 : memref<1x128x64xf32, #tpu.memory_space<vmem>> -> memref<128x64xf32, #tpu.memory_space<vmem>>
    tpu.wait_dma2 semaphore(%arg11 : memref<!tpu.dma_semaphore, #tpu.memory_space<semaphore_mem>>) src(%dma_wait3A_88 : memref<128x64xf32, #tpu.memory_space<vmem>>) dst(%dma_wait3A_84 : memref<128x64xf32, #tpu.memory_space<hbm>>)
    %dma_start3A_89 = arith.constant 4 : i32
    %dma_start3A_90 = arith.constant 0 : i32
    %dma_start3A_91 = arith.constant 0 : i32
    %dma_start3A_92 = arith.constant 0 : i32
    %dma_start3A_93 = tpu.memref_slice %arg6[%dma_start3A_90, %dma_start3A_91, %dma_start3A_92] : memref<4x128x64xf32, #tpu.memory_space<vmem>> -> memref<1x128x64xf32, #tpu.memory_space<vmem>>
    %dma_start3A_94 = tpu.memref_squeeze %dma_start3A_93 : memref<1x128x64xf32, #tpu.memory_space<vmem>> -> memref<128x64xf32, #tpu.memory_space<vmem>>
    %dma_start3A_95 = arith.constant 0 : i32
    %dma_start3A_96 = tpu.memref_slice %arg5[%dma_start3A_89, %dma_start3A_95] : memref<200x128xi32, #tpu.memory_space<vmem>> -> memref<1x128xi32, #tpu.memory_space<vmem>>
    %dma_start3A_97 = tpu.memref_squeeze %dma_start3A_96 : memref<1x128xi32, #tpu.memory_space<vmem>> -> memref<128xi32, #tpu.memory_space<vmem>>
    %dma_start3A_98 = arith.constant 0 : i32
    %dma_start3A_99 = arith.constant 0 : i32
    %dma_start3A_100 = tpu.memref_slice %arg2[%dma_start3A_98, %dma_start3A_99] : memref<100000x64xf32, #tpu.memory_space<hbm>> -> memref<100000x64xf32, #tpu.memory_space<hbm>>
    tpu.enqueue_indirect_dma source(%dma_start3A_100 : memref<100000x64xf32, #tpu.memory_space<hbm>>) target(%dma_start3A_94 : memref<128x64xf32, #tpu.memory_space<vmem>>) offsets(%dma_start3A_97 : memref<128xi32, #tpu.memory_space<vmem>>) semaphore(%arg7 : memref<!tpu.dma_semaphore, #tpu.memory_space<semaphore_mem>>)
    %dma_wait3A_101 = arith.constant 1 : i32
    %dma_wait3A_102 = arith.constant 1 : i32
    %dma_wait3A_103 = arith.constant 0 : i32
    %dma_wait3A_104 = arith.constant 0 : i32
    %dma_wait3A_105 = tpu.memref_slice %arg6[%dma_wait3A_102, %dma_wait3A_103, %dma_wait3A_104] : memref<4x128x64xf32, #tpu.memory_space<vmem>> -> memref<1x128x64xf32, #tpu.memory_space<vmem>>
    %dma_wait3A_106 = tpu.memref_squeeze %dma_wait3A_105 : memref<1x128x64xf32, #tpu.memory_space<vmem>> -> memref<128x64xf32, #tpu.memory_space<vmem>>
    %dma_wait3A_107 = arith.constant 0 : i32
    %dma_wait3A_108 = tpu.memref_slice %arg5[%dma_wait3A_101, %dma_wait3A_107] : memref<200x128xi32, #tpu.memory_space<vmem>> -> memref<1x128xi32, #tpu.memory_space<vmem>>
    %dma_wait3A_109 = tpu.memref_squeeze %dma_wait3A_108 : memref<1x128xi32, #tpu.memory_space<vmem>> -> memref<128xi32, #tpu.memory_space<vmem>>
    %dma_wait3A_110 = arith.constant 0 : i32
    %dma_wait3A_111 = arith.constant 0 : i32
    %dma_wait3A_112 = tpu.memref_slice %arg2[%dma_wait3A_110, %dma_wait3A_111] : memref<100000x64xf32, #tpu.memory_space<hbm>> -> memref<100000x64xf32, #tpu.memory_space<hbm>>
    tpu.wait_indirect_dma semaphore(%arg8 : memref<!tpu.dma_semaphore, #tpu.memory_space<semaphore_mem>>) src(%dma_wait3A_112 : memref<100000x64xf32, #tpu.memory_space<hbm>>) dst(%dma_wait3A_106 : memref<128x64xf32, #tpu.memory_space<vmem>>)
    %add3A_113 = arith.constant 128 : i32
    %add3A_114 = arith.addi %mul3A_2, %add3A_113 : i32
    %dma_start3A_115 = arith.constant 1 : i32
    %dma_start3A_116 = arith.constant 0 : i32
    %dma_start3A_117 = arith.constant 0 : i32
    %dma_start3A_118 = tpu.memref_slice %arg6[%dma_start3A_115, %dma_start3A_116, %dma_start3A_117] : memref<4x128x64xf32, #tpu.memory_space<vmem>> -> memref<1x128x64xf32, #tpu.memory_space<vmem>>
    %dma_start3A_119 = tpu.memref_squeeze %dma_start3A_118 : memref<1x128x64xf32, #tpu.memory_space<vmem>> -> memref<128x64xf32, #tpu.memory_space<vmem>>
    %dma_start3A_120 = arith.constant 0 : i32
    %dma_start3A_121 = tpu.memref_slice %arg4[%add3A_114, %dma_start3A_120] : memref<819200x64xf32, #tpu.memory_space<hbm>> -> memref<128x64xf32, #tpu.memory_space<hbm>>
    %dma_start3A_122 = arith.constant 0 : i32
    %dma_start3A_123 = tpu.memref_slice %arg4[%add3A_114, %dma_start3A_122] : memref<819200x64xf32, #tpu.memory_space<hbm>> -> memref<128x64xf32, #tpu.memory_space<hbm>>
    %dma_start3A_124 = arith.constant 0 : i32
    %dma_start3A_125 = arith.constant 0 : i32
    %dma_start3A_126 = tpu.memref_slice %arg6[%dma_start3A_115, %dma_start3A_124, %dma_start3A_125] : memref<4x128x64xf32, #tpu.memory_space<vmem>> -> memref<1x128x64xf32, #tpu.memory_space<vmem>>
    %dma_start3A_127 = tpu.memref_squeeze %dma_start3A_126 : memref<1x128x64xf32, #tpu.memory_space<vmem>> -> memref<128x64xf32, #tpu.memory_space<vmem>>
    tpu.enqueue_dma source(%dma_start3A_127 : memref<128x64xf32, #tpu.memory_space<vmem>>) target(%dma_start3A_123 : memref<128x64xf32, #tpu.memory_space<hbm>>) target_semaphore(%arg12 : memref<!tpu.dma_semaphore, #tpu.memory_space<semaphore_mem>>)
    %dma_wait3A_128 = arith.constant 1 : i32
    %dma_wait3A_129 = arith.constant 0 : i32
    %dma_wait3A_130 = arith.constant 0 : i32
    %dma_wait3A_131 = tpu.memref_slice %arg6[%dma_wait3A_128, %dma_wait3A_129, %dma_wait3A_130] : memref<4x128x64xf32, #tpu.memory_space<vmem>> -> memref<1x128x64xf32, #tpu.memory_space<vmem>>
    %dma_wait3A_132 = tpu.memref_squeeze %dma_wait3A_131 : memref<1x128x64xf32, #tpu.memory_space<vmem>> -> memref<128x64xf32, #tpu.memory_space<vmem>>
    %dma_wait3A_133 = arith.constant 0 : i32
    %dma_wait3A_134 = tpu.memref_slice %arg4[%mul3A_2, %dma_wait3A_133] : memref<819200x64xf32, #tpu.memory_space<hbm>> -> memref<128x64xf32, #tpu.memory_space<hbm>>
    %dma_wait3A_135 = arith.constant 0 : i32
    %dma_wait3A_136 = tpu.memref_slice %arg4[%mul3A_2, %dma_wait3A_135] : memref<819200x64xf32, #tpu.memory_space<hbm>> -> memref<128x64xf32, #tpu.memory_space<hbm>>
    %dma_wait3A_137 = arith.constant 0 : i32
    %dma_wait3A_138 = arith.constant 0 : i32
    %dma_wait3A_139 = tpu.memref_slice %arg6[%dma_wait3A_128, %dma_wait3A_137, %dma_wait3A_138] : memref<4x128x64xf32, #tpu.memory_space<vmem>> -> memref<1x128x64xf32, #tpu.memory_space<vmem>>
    %dma_wait3A_140 = tpu.memref_squeeze %dma_wait3A_139 : memref<1x128x64xf32, #tpu.memory_space<vmem>> -> memref<128x64xf32, #tpu.memory_space<vmem>>
    tpu.wait_dma2 semaphore(%arg12 : memref<!tpu.dma_semaphore, #tpu.memory_space<semaphore_mem>>) src(%dma_wait3A_140 : memref<128x64xf32, #tpu.memory_space<vmem>>) dst(%dma_wait3A_136 : memref<128x64xf32, #tpu.memory_space<hbm>>)
    %dma_start3A_141 = arith.constant 5 : i32
    %dma_start3A_142 = arith.constant 1 : i32
    %dma_start3A_143 = arith.constant 0 : i32
    %dma_start3A_144 = arith.constant 0 : i32
    %dma_start3A_145 = tpu.memref_slice %arg6[%dma_start3A_142, %dma_start3A_143, %dma_start3A_144] : memref<4x128x64xf32, #tpu.memory_space<vmem>> -> memref<1x128x64xf32, #tpu.memory_space<vmem>>
    %dma_start3A_146 = tpu.memref_squeeze %dma_start3A_145 : memref<1x128x64xf32, #tpu.memory_space<vmem>> -> memref<128x64xf32, #tpu.memory_space<vmem>>
    %dma_start3A_147 = arith.constant 0 : i32
    %dma_start3A_148 = tpu.memref_slice %arg5[%dma_start3A_141, %dma_start3A_147] : memref<200x128xi32, #tpu.memory_space<vmem>> -> memref<1x128xi32, #tpu.memory_space<vmem>>
    %dma_start3A_149 = tpu.memref_squeeze %dma_start3A_148 : memref<1x128xi32, #tpu.memory_space<vmem>> -> memref<128xi32, #tpu.memory_space<vmem>>
    %dma_start3A_150 = arith.constant 0 : i32
    %dma_start3A_151 = arith.constant 0 : i32
    %dma_start3A_152 = tpu.memref_slice %arg2[%dma_start3A_150, %dma_start3A_151] : memref<100000x64xf32, #tpu.memory_space<hbm>> -> memref<100000x64xf32, #tpu.memory_space<hbm>>
    tpu.enqueue_indirect_dma source(%dma_start3A_152 : memref<100000x64xf32, #tpu.memory_space<hbm>>) target(%dma_start3A_146 : memref<128x64xf32, #tpu.memory_space<vmem>>) offsets(%dma_start3A_149 : memref<128xi32, #tpu.memory_space<vmem>>) semaphore(%arg8 : memref<!tpu.dma_semaphore, #tpu.memory_space<semaphore_mem>>)
    %dma_wait3A_153 = arith.constant 2 : i32
    %dma_wait3A_154 = arith.constant 2 : i32
    %dma_wait3A_155 = arith.constant 0 : i32
    %dma_wait3A_156 = arith.constant 0 : i32
    %dma_wait3A_157 = tpu.memref_slice %arg6[%dma_wait3A_154, %dma_wait3A_155, %dma_wait3A_156] : memref<4x128x64xf32, #tpu.memory_space<vmem>> -> memref<1x128x64xf32, #tpu.memory_space<vmem>>
    %dma_wait3A_158 = tpu.memref_squeeze %dma_wait3A_157 : memref<1x128x64xf32, #tpu.memory_space<vmem>> -> memref<128x64xf32, #tpu.memory_space<vmem>>
    %dma_wait3A_159 = arith.constant 0 : i32
    %dma_wait3A_160 = tpu.memref_slice %arg5[%dma_wait3A_153, %dma_wait3A_159] : memref<200x128xi32, #tpu.memory_space<vmem>> -> memref<1x128xi32, #tpu.memory_space<vmem>>
    %dma_wait3A_161 = tpu.memref_squeeze %dma_wait3A_160 : memref<1x128xi32, #tpu.memory_space<vmem>> -> memref<128xi32, #tpu.memory_space<vmem>>
    %dma_wait3A_162 = arith.constant 0 : i32
    %dma_wait3A_163 = arith.constant 0 : i32
    %dma_wait3A_164 = tpu.memref_slice %arg2[%dma_wait3A_162, %dma_wait3A_163] : memref<100000x64xf32, #tpu.memory_space<hbm>> -> memref<100000x64xf32, #tpu.memory_space<hbm>>
    tpu.wait_indirect_dma semaphore(%arg9 : memref<!tpu.dma_semaphore, #tpu.memory_space<semaphore_mem>>) src(%dma_wait3A_164 : memref<100000x64xf32, #tpu.memory_space<hbm>>) dst(%dma_wait3A_158 : memref<128x64xf32, #tpu.memory_space<vmem>>)
    %add3A_165 = arith.constant 256 : i32
    %add3A_166 = arith.addi %mul3A_2, %add3A_165 : i32
    %dma_start3A_167 = arith.constant 2 : i32
    %dma_start3A_168 = arith.constant 0 : i32
    %dma_start3A_169 = arith.constant 0 : i32
    %dma_start3A_170 = tpu.memref_slice %arg6[%dma_start3A_167, %dma_start3A_168, %dma_start3A_169] : memref<4x128x64xf32, #tpu.memory_space<vmem>> -> memref<1x128x64xf32, #tpu.memory_space<vmem>>
    %dma_start3A_171 = tpu.memref_squeeze %dma_start3A_170 : memref<1x128x64xf32, #tpu.memory_space<vmem>> -> memref<128x64xf32, #tpu.memory_space<vmem>>
    %dma_start3A_172 = arith.constant 0 : i32
    %dma_start3A_173 = tpu.memref_slice %arg4[%add3A_166, %dma_start3A_172] : memref<819200x64xf32, #tpu.memory_space<hbm>> -> memref<128x64xf32, #tpu.memory_space<hbm>>
    %dma_start3A_174 = arith.constant 0 : i32
    %dma_start3A_175 = tpu.memref_slice %arg4[%add3A_166, %dma_start3A_174] : memref<819200x64xf32, #tpu.memory_space<hbm>> -> memref<128x64xf32, #tpu.memory_space<hbm>>
    %dma_start3A_176 = arith.constant 0 : i32
    %dma_start3A_177 = arith.constant 0 : i32
    %dma_start3A_178 = tpu.memref_slice %arg6[%dma_start3A_167, %dma_start3A_176, %dma_start3A_177] : memref<4x128x64xf32, #tpu.memory_space<vmem>> -> memref<1x128x64xf32, #tpu.memory_space<vmem>>
    %dma_start3A_179 = tpu.memref_squeeze %dma_start3A_178 : memref<1x128x64xf32, #tpu.memory_space<vmem>> -> memref<128x64xf32, #tpu.memory_space<vmem>>
    tpu.enqueue_dma source(%dma_start3A_179 : memref<128x64xf32, #tpu.memory_space<vmem>>) target(%dma_start3A_175 : memref<128x64xf32, #tpu.memory_space<hbm>>) target_semaphore(%arg13 : memref<!tpu.dma_semaphore, #tpu.memory_space<semaphore_mem>>)
    %dma_wait3A_180 = arith.constant 2 : i32
    %dma_wait3A_181 = arith.constant 0 : i32
    %dma_wait3A_182 = arith.constant 0 : i32
    %dma_wait3A_183 = tpu.memref_slice %arg6[%dma_wait3A_180, %dma_wait3A_181, %dma_wait3A_182] : memref<4x128x64xf32, #tpu.memory_space<vmem>> -> memref<1x128x64xf32, #tpu.memory_space<vmem>>
    %dma_wait3A_184 = tpu.memref_squeeze %dma_wait3A_183 : memref<1x128x64xf32, #tpu.memory_space<vmem>> -> memref<128x64xf32, #tpu.memory_space<vmem>>
    %dma_wait3A_185 = arith.constant 0 : i32
    %dma_wait3A_186 = tpu.memref_slice %arg4[%mul3A_2, %dma_wait3A_185] : memref<819200x64xf32, #tpu.memory_space<hbm>> -> memref<128x64xf32, #tpu.memory_space<hbm>>
    %dma_wait3A_187 = arith.constant 0 : i32
    %dma_wait3A_188 = tpu.memref_slice %arg4[%mul3A_2, %dma_wait3A_187] : memref<819200x64xf32, #tpu.memory_space<hbm>> -> memref<128x64xf32, #tpu.memory_space<hbm>>
    %dma_wait3A_189 = arith.constant 0 : i32
    %dma_wait3A_190 = arith.constant 0 : i32
    %dma_wait3A_191 = tpu.memref_slice %arg6[%dma_wait3A_180, %dma_wait3A_189, %dma_wait3A_190] : memref<4x128x64xf32, #tpu.memory_space<vmem>> -> memref<1x128x64xf32, #tpu.memory_space<vmem>>
    %dma_wait3A_192 = tpu.memref_squeeze %dma_wait3A_191 : memref<1x128x64xf32, #tpu.memory_space<vmem>> -> memref<128x64xf32, #tpu.memory_space<vmem>>
    tpu.wait_dma2 semaphore(%arg13 : memref<!tpu.dma_semaphore, #tpu.memory_space<semaphore_mem>>) src(%dma_wait3A_192 : memref<128x64xf32, #tpu.memory_space<vmem>>) dst(%dma_wait3A_188 : memref<128x64xf32, #tpu.memory_space<hbm>>)
    %dma_start3A_193 = arith.constant 6 : i32
    %dma_start3A_194 = arith.constant 2 : i32
    %dma_start3A_195 = arith.constant 0 : i32
    %dma_start3A_196 = arith.constant 0 : i32
    %dma_start3A_197 = tpu.memref_slice %arg6[%dma_start3A_194, %dma_start3A_195, %dma_start3A_196] : memref<4x128x64xf32, #tpu.memory_space<vmem>> -> memref<1x128x64xf32, #tpu.memory_space<vmem>>
    %dma_start3A_198 = tpu.memref_squeeze %dma_start3A_197 : memref<1x128x64xf32, #tpu.memory_space<vmem>> -> memref<128x64xf32, #tpu.memory_space<vmem>>
    %dma_start3A_199 = arith.constant 0 : i32
    %dma_start3A_200 = tpu.memref_slice %arg5[%dma_start3A_193, %dma_start3A_199] : memref<200x128xi32, #tpu.memory_space<vmem>> -> memref<1x128xi32, #tpu.memory_space<vmem>>
    %dma_start3A_201 = tpu.memref_squeeze %dma_start3A_200 : memref<1x128xi32, #tpu.memory_space<vmem>> -> memref<128xi32, #tpu.memory_space<vmem>>
    %dma_start3A_202 = arith.constant 0 : i32
    %dma_start3A_203 = arith.constant 0 : i32
    %dma_start3A_204 = tpu.memref_slice %arg2[%dma_start3A_202, %dma_start3A_203] : memref<100000x64xf32, #tpu.memory_space<hbm>> -> memref<100000x64xf32, #tpu.memory_space<hbm>>
    tpu.enqueue_indirect_dma source(%dma_start3A_204 : memref<100000x64xf32, #tpu.memory_space<hbm>>) target(%dma_start3A_198 : memref<128x64xf32, #tpu.memory_space<vmem>>) offsets(%dma_start3A_201 : memref<128xi32, #tpu.memory_space<vmem>>) semaphore(%arg9 : memref<!tpu.dma_semaphore, #tpu.memory_space<semaphore_mem>>)
    %dma_wait3A_205 = arith.constant 3 : i32
    %dma_wait3A_206 = arith.constant 3 : i32
    %dma_wait3A_207 = arith.constant 0 : i32
    %dma_wait3A_208 = arith.constant 0 : i32
    %dma_wait3A_209 = tpu.memref_slice %arg6[%dma_wait3A_206, %dma_wait3A_207, %dma_wait3A_208] : memref<4x128x64xf32, #tpu.memory_space<vmem>> -> memref<1x128x64xf32, #tpu.memory_space<vmem>>
    %dma_wait3A_210 = tpu.memref_squeeze %dma_wait3A_209 : memref<1x128x64xf32, #tpu.memory_space<vmem>> -> memref<128x64xf32, #tpu.memory_space<vmem>>
    %dma_wait3A_211 = arith.constant 0 : i32
    %dma_wait3A_212 = tpu.memref_slice %arg5[%dma_wait3A_205, %dma_wait3A_211] : memref<200x128xi32, #tpu.memory_space<vmem>> -> memref<1x128xi32, #tpu.memory_space<vmem>>
    %dma_wait3A_213 = tpu.memref_squeeze %dma_wait3A_212 : memref<1x128xi32, #tpu.memory_space<vmem>> -> memref<128xi32, #tpu.memory_space<vmem>>
    %dma_wait3A_214 = arith.constant 0 : i32
    %dma_wait3A_215 = arith.constant 0 : i32
    %dma_wait3A_216 = tpu.memref_slice %arg2[%dma_wait3A_214, %dma_wait3A_215] : memref<100000x64xf32, #tpu.memory_space<hbm>> -> memref<100000x64xf32, #tpu.memory_space<hbm>>
    tpu.wait_indirect_dma semaphore(%arg10 : memref<!tpu.dma_semaphore, #tpu.memory_space<semaphore_mem>>) src(%dma_wait3A_216 : memref<100000x64xf32, #tpu.memory_space<hbm>>) dst(%dma_wait3A_210 : memref<128x64xf32, #tpu.memory_space<vmem>>)
    %add3A_217 = arith.constant 384 : i32
    %add3A_218 = arith.addi %mul3A_2, %add3A_217 : i32
    %dma_start3A_219 = arith.constant 3 : i32
    %dma_start3A_220 = arith.constant 0 : i32
    %dma_start3A_221 = arith.constant 0 : i32
    %dma_start3A_222 = tpu.memref_slice %arg6[%dma_start3A_219, %dma_start3A_220, %dma_start3A_221] : memref<4x128x64xf32, #tpu.memory_space<vmem>> -> memref<1x128x64xf32, #tpu.memory_space<vmem>>
    %dma_start3A_223 = tpu.memref_squeeze %dma_start3A_222 : memref<1x128x64xf32, #tpu.memory_space<vmem>> -> memref<128x64xf32, #tpu.memory_space<vmem>>
    %dma_start3A_224 = arith.constant 0 : i32
    %dma_start3A_225 = tpu.memref_slice %arg4[%add3A_218, %dma_start3A_224] : memref<819200x64xf32, #tpu.memory_space<hbm>> -> memref<128x64xf32, #tpu.memory_space<hbm>>
    %dma_start3A_226 = arith.constant 0 : i32
    %dma_start3A_227 = tpu.memref_slice %arg4[%add3A_218, %dma_start3A_226] : memref<819200x64xf32, #tpu.memory_space<hbm>> -> memref<128x64xf32, #tpu.memory_space<hbm>>
    %dma_start3A_228 = arith.constant 0 : i32
    %dma_start3A_229 = arith.constant 0 : i32
    %dma_start3A_230 = tpu.memref_slice %arg6[%dma_start3A_219, %dma_start3A_228, %dma_start3A_229] : memref<4x128x64xf32, #tpu.memory_space<vmem>> -> memref<1x128x64xf32, #tpu.memory_space<vmem>>
    %dma_start3A_231 = tpu.memref_squeeze %dma_start3A_230 : memref<1x128x64xf32, #tpu.memory_space<vmem>> -> memref<128x64xf32, #tpu.memory_space<vmem>>
    tpu.enqueue_dma source(%dma_start3A_231 : memref<128x64xf32, #tpu.memory_space<vmem>>) target(%dma_start3A_227 : memref<128x64xf32, #tpu.memory_space<hbm>>) target_semaphore(%arg14 : memref<!tpu.dma_semaphore, #tpu.memory_space<semaphore_mem>>)
    %scan3A = arith.constant 0 : i32
    %scan3A_232 = arith.constant 1 : i32
    %scan3A_233 = arith.constant 48 : i32
    %scan3A_234 = arith.addi %scan3A_232, %scan3A_233 : i32
    %scan3A_235 = arith.constant 1 : i32
    scf.for %scan3A_422 = %scan3A_232 to %scan3A_234 step %scan3A_235  : i32 {
      %mul3A_423 = arith.constant 4 : i32
      %mul3A_424 = arith.muli %scan3A_422, %mul3A_423 : i32
      %add3A_425 = arith.constant 0 : i32
      %add3A_426 = arith.addi %mul3A_424, %add3A_425 : i32
      %dma_wait3A_427 = arith.constant 3 : i32
      %dma_wait3A_428 = arith.constant 0 : i32
      %dma_wait3A_429 = arith.constant 0 : i32
      %dma_wait3A_430 = tpu.memref_slice %arg6[%dma_wait3A_427, %dma_wait3A_428, %dma_wait3A_429] : memref<4x128x64xf32, #tpu.memory_space<vmem>> -> memref<1x128x64xf32, #tpu.memory_space<vmem>>
      %dma_wait3A_431 = tpu.memref_squeeze %dma_wait3A_430 : memref<1x128x64xf32, #tpu.memory_space<vmem>> -> memref<128x64xf32, #tpu.memory_space<vmem>>
      %dma_wait3A_432 = arith.constant 0 : i32
      %dma_wait3A_433 = tpu.memref_slice %arg4[%mul3A_2, %dma_wait3A_432] : memref<819200x64xf32, #tpu.memory_space<hbm>> -> memref<128x64xf32, #tpu.memory_space<hbm>>
      %dma_wait3A_434 = arith.constant 0 : i32
      %dma_wait3A_435 = tpu.memref_slice %arg4[%mul3A_2, %dma_wait3A_434] : memref<819200x64xf32, #tpu.memory_space<hbm>> -> memref<128x64xf32, #tpu.memory_space<hbm>>
      %dma_wait3A_436 = arith.constant 0 : i32
      %dma_wait3A_437 = arith.constant 0 : i32
      %dma_wait3A_438 = tpu.memref_slice %arg6[%dma_wait3A_427, %dma_wait3A_436, %dma_wait3A_437] : memref<4x128x64xf32, #tpu.memory_space<vmem>> -> memref<1x128x64xf32, #tpu.memory_space<vmem>>
      %dma_wait3A_439 = tpu.memref_squeeze %dma_wait3A_438 : memref<1x128x64xf32, #tpu.memory_space<vmem>> -> memref<128x64xf32, #tpu.memory_space<vmem>>
      tpu.wait_dma2 semaphore(%arg14 : memref<!tpu.dma_semaphore, #tpu.memory_space<semaphore_mem>>) src(%dma_wait3A_439 : memref<128x64xf32, #tpu.memory_space<vmem>>) dst(%dma_wait3A_435 : memref<128x64xf32, #tpu.memory_space<hbm>>)
      %add3A_440 = arith.constant 3 : i32
      %add3A_441 = arith.addi %add3A_426, %add3A_440 : i32
      %dma_start3A_442 = arith.constant 3 : i32
      %dma_start3A_443 = arith.constant 0 : i32
      %dma_start3A_444 = arith.constant 0 : i32
      %dma_start3A_445 = tpu.memref_slice %arg6[%dma_start3A_442, %dma_start3A_443, %dma_start3A_444] : memref<4x128x64xf32, #tpu.memory_space<vmem>> -> memref<1x128x64xf32, #tpu.memory_space<vmem>>
      %dma_start3A_446 = tpu.memref_squeeze %dma_start3A_445 : memref<1x128x64xf32, #tpu.memory_space<vmem>> -> memref<128x64xf32, #tpu.memory_space<vmem>>
      %dma_start3A_447 = arith.constant 0 : i32
      %dma_start3A_448 = tpu.memref_slice %arg5[%add3A_441, %dma_start3A_447] : memref<200x128xi32, #tpu.memory_space<vmem>> -> memref<1x128xi32, #tpu.memory_space<vmem>>
      %dma_start3A_449 = tpu.memref_squeeze %dma_start3A_448 : memref<1x128xi32, #tpu.memory_space<vmem>> -> memref<128xi32, #tpu.memory_space<vmem>>
      %dma_start3A_450 = arith.constant 0 : i32
      %dma_start3A_451 = arith.constant 0 : i32
      %dma_start3A_452 = tpu.memref_slice %arg2[%dma_start3A_450, %dma_start3A_451] : memref<100000x64xf32, #tpu.memory_space<hbm>> -> memref<100000x64xf32, #tpu.memory_space<hbm>>
      tpu.enqueue_indirect_dma source(%dma_start3A_452 : memref<100000x64xf32, #tpu.memory_space<hbm>>) target(%dma_start3A_446 : memref<128x64xf32, #tpu.memory_space<vmem>>) offsets(%dma_start3A_449 : memref<128xi32, #tpu.memory_space<vmem>>) semaphore(%arg10 : memref<!tpu.dma_semaphore, #tpu.memory_space<semaphore_mem>>)
      %dma_wait3A_453 = arith.constant 0 : i32
      %dma_wait3A_454 = arith.constant 0 : i32
      %dma_wait3A_455 = arith.constant 0 : i32
      %dma_wait3A_456 = tpu.memref_slice %arg6[%dma_wait3A_453, %dma_wait3A_454, %dma_wait3A_455] : memref<4x128x64xf32, #tpu.memory_space<vmem>> -> memref<1x128x64xf32, #tpu.memory_space<vmem>>
      %dma_wait3A_457 = tpu.memref_squeeze %dma_wait3A_456 : memref<1x128x64xf32, #tpu.memory_space<vmem>> -> memref<128x64xf32, #tpu.memory_space<vmem>>
      %dma_wait3A_458 = arith.constant 0 : i32
      %dma_wait3A_459 = tpu.memref_slice %arg5[%add3A_426, %dma_wait3A_458] : memref<200x128xi32, #tpu.memory_space<vmem>> -> memref<1x128xi32, #tpu.memory_space<vmem>>
      %dma_wait3A_460 = tpu.memref_squeeze %dma_wait3A_459 : memref<1x128xi32, #tpu.memory_space<vmem>> -> memref<128xi32, #tpu.memory_space<vmem>>
      %dma_wait3A_461 = arith.constant 0 : i32
      %dma_wait3A_462 = arith.constant 0 : i32
      %dma_wait3A_463 = tpu.memref_slice %arg2[%dma_wait3A_461, %dma_wait3A_462] : memref<100000x64xf32, #tpu.memory_space<hbm>> -> memref<100000x64xf32, #tpu.memory_space<hbm>>
      tpu.wait_indirect_dma semaphore(%arg7 : memref<!tpu.dma_semaphore, #tpu.memory_space<semaphore_mem>>) src(%dma_wait3A_463 : memref<100000x64xf32, #tpu.memory_space<hbm>>) dst(%dma_wait3A_457 : memref<128x64xf32, #tpu.memory_space<vmem>>)
      %mul3A_464 = arith.constant 128 : i32
      %mul3A_465 = arith.muli %add3A_426, %mul3A_464 : i32
      %add3A_466 = arith.addi %mul3A_2, %mul3A_465 : i32
      %dma_start3A_467 = arith.constant 0 : i32
      %dma_start3A_468 = arith.constant 0 : i32
      %dma_start3A_469 = arith.constant 0 : i32
      %dma_start3A_470 = tpu.memref_slice %arg6[%dma_start3A_467, %dma_start3A_468, %dma_start3A_469] : memref<4x128x64xf32, #tpu.memory_space<vmem>> -> memref<1x128x64xf32, #tpu.memory_space<vmem>>
      %dma_start3A_471 = tpu.memref_squeeze %dma_start3A_470 : memref<1x128x64xf32, #tpu.memory_space<vmem>> -> memref<128x64xf32, #tpu.memory_space<vmem>>
      %dma_start3A_472 = arith.constant 0 : i32
      %dma_start3A_473 = tpu.memref_slice %arg4[%add3A_466, %dma_start3A_472] : memref<819200x64xf32, #tpu.memory_space<hbm>> -> memref<128x64xf32, #tpu.memory_space<hbm>>
      %dma_start3A_474 = arith.constant 0 : i32
      %dma_start3A_475 = tpu.memref_slice %arg4[%add3A_466, %dma_start3A_474] : memref<819200x64xf32, #tpu.memory_space<hbm>> -> memref<128x64xf32, #tpu.memory_space<hbm>>
      %dma_start3A_476 = arith.constant 0 : i32
      %dma_start3A_477 = arith.constant 0 : i32
      %dma_start3A_478 = tpu.memref_slice %arg6[%dma_start3A_467, %dma_start3A_476, %dma_start3A_477] : memref<4x128x64xf32, #tpu.memory_space<vmem>> -> memref<1x128x64xf32, #tpu.memory_space<vmem>>
      %dma_start3A_479 = tpu.memref_squeeze %dma_start3A_478 : memref<1x128x64xf32, #tpu.memory_space<vmem>> -> memref<128x64xf32, #tpu.memory_space<vmem>>
      tpu.enqueue_dma source(%dma_start3A_479 : memref<128x64xf32, #tpu.memory_space<vmem>>) target(%dma_start3A_475 : memref<128x64xf32, #tpu.memory_space<hbm>>) target_semaphore(%arg11 : memref<!tpu.dma_semaphore, #tpu.memory_space<semaphore_mem>>)
      %add3A_480 = arith.constant 1 : i32
      %add3A_481 = arith.addi %mul3A_424, %add3A_480 : i32
      %dma_wait3A_482 = arith.constant 0 : i32
      %dma_wait3A_483 = arith.constant 0 : i32
      %dma_wait3A_484 = arith.constant 0 : i32
      %dma_wait3A_485 = tpu.memref_slice %arg6[%dma_wait3A_482, %dma_wait3A_483, %dma_wait3A_484] : memref<4x128x64xf32, #tpu.memory_space<vmem>> -> memref<1x128x64xf32, #tpu.memory_space<vmem>>
      %dma_wait3A_486 = tpu.memref_squeeze %dma_wait3A_485 : memref<1x128x64xf32, #tpu.memory_space<vmem>> -> memref<128x64xf32, #tpu.memory_space<vmem>>
      %dma_wait3A_487 = arith.constant 0 : i32
      %dma_wait3A_488 = tpu.memref_slice %arg4[%mul3A_2, %dma_wait3A_487] : memref<819200x64xf32, #tpu.memory_space<hbm>> -> memref<128x64xf32, #tpu.memory_space<hbm>>
      %dma_wait3A_489 = arith.constant 0 : i32
      %dma_wait3A_490 = tpu.memref_slice %arg4[%mul3A_2, %dma_wait3A_489] : memref<819200x64xf32, #tpu.memory_space<hbm>> -> memref<128x64xf32, #tpu.memory_space<hbm>>
      %dma_wait3A_491 = arith.constant 0 : i32
      %dma_wait3A_492 = arith.constant 0 : i32
      %dma_wait3A_493 = tpu.memref_slice %arg6[%dma_wait3A_482, %dma_wait3A_491, %dma_wait3A_492] : memref<4x128x64xf32, #tpu.memory_space<vmem>> -> memref<1x128x64xf32, #tpu.memory_space<vmem>>
      %dma_wait3A_494 = tpu.memref_squeeze %dma_wait3A_493 : memref<1x128x64xf32, #tpu.memory_space<vmem>> -> memref<128x64xf32, #tpu.memory_space<vmem>>
      tpu.wait_dma2 semaphore(%arg11 : memref<!tpu.dma_semaphore, #tpu.memory_space<semaphore_mem>>) src(%dma_wait3A_494 : memref<128x64xf32, #tpu.memory_space<vmem>>) dst(%dma_wait3A_490 : memref<128x64xf32, #tpu.memory_space<hbm>>)
      %add3A_495 = arith.constant 3 : i32
      %add3A_496 = arith.addi %add3A_481, %add3A_495 : i32
      %dma_start3A_497 = arith.constant 0 : i32
      %dma_start3A_498 = arith.constant 0 : i32
      %dma_start3A_499 = arith.constant 0 : i32
      %dma_start3A_500 = tpu.memref_slice %arg6[%dma_start3A_497, %dma_start3A_498, %dma_start3A_499] : memref<4x128x64xf32, #tpu.memory_space<vmem>> -> memref<1x128x64xf32, #tpu.memory_space<vmem>>
      %dma_start3A_501 = tpu.memref_squeeze %dma_start3A_500 : memref<1x128x64xf32, #tpu.memory_space<vmem>> -> memref<128x64xf32, #tpu.memory_space<vmem>>
      %dma_start3A_502 = arith.constant 0 : i32
      %dma_start3A_503 = tpu.memref_slice %arg5[%add3A_496, %dma_start3A_502] : memref<200x128xi32, #tpu.memory_space<vmem>> -> memref<1x128xi32, #tpu.memory_space<vmem>>
      %dma_start3A_504 = tpu.memref_squeeze %dma_start3A_503 : memref<1x128xi32, #tpu.memory_space<vmem>> -> memref<128xi32, #tpu.memory_space<vmem>>
      %dma_start3A_505 = arith.constant 0 : i32
      %dma_start3A_506 = arith.constant 0 : i32
      %dma_start3A_507 = tpu.memref_slice %arg2[%dma_start3A_505, %dma_start3A_506] : memref<100000x64xf32, #tpu.memory_space<hbm>> -> memref<100000x64xf32, #tpu.memory_space<hbm>>
      tpu.enqueue_indirect_dma source(%dma_start3A_507 : memref<100000x64xf32, #tpu.memory_space<hbm>>) target(%dma_start3A_501 : memref<128x64xf32, #tpu.memory_space<vmem>>) offsets(%dma_start3A_504 : memref<128xi32, #tpu.memory_space<vmem>>) semaphore(%arg7 : memref<!tpu.dma_semaphore, #tpu.memory_space<semaphore_mem>>)
      %dma_wait3A_508 = arith.constant 1 : i32
      %dma_wait3A_509 = arith.constant 0 : i32
      %dma_wait3A_510 = arith.constant 0 : i32
      %dma_wait3A_511 = tpu.memref_slice %arg6[%dma_wait3A_508, %dma_wait3A_509, %dma_wait3A_510] : memref<4x128x64xf32, #tpu.memory_space<vmem>> -> memref<1x128x64xf32, #tpu.memory_space<vmem>>
      %dma_wait3A_512 = tpu.memref_squeeze %dma_wait3A_511 : memref<1x128x64xf32, #tpu.memory_space<vmem>> -> memref<128x64xf32, #tpu.memory_space<vmem>>
      %dma_wait3A_513 = arith.constant 0 : i32
      %dma_wait3A_514 = tpu.memref_slice %arg5[%add3A_481, %dma_wait3A_513] : memref<200x128xi32, #tpu.memory_space<vmem>> -> memref<1x128xi32, #tpu.memory_space<vmem>>
      %dma_wait3A_515 = tpu.memref_squeeze %dma_wait3A_514 : memref<1x128xi32, #tpu.memory_space<vmem>> -> memref<128xi32, #tpu.memory_space<vmem>>
      %dma_wait3A_516 = arith.constant 0 : i32
      %dma_wait3A_517 = arith.constant 0 : i32
      %dma_wait3A_518 = tpu.memref_slice %arg2[%dma_wait3A_516, %dma_wait3A_517] : memref<100000x64xf32, #tpu.memory_space<hbm>> -> memref<100000x64xf32, #tpu.memory_space<hbm>>
      tpu.wait_indirect_dma semaphore(%arg8 : memref<!tpu.dma_semaphore, #tpu.memory_space<semaphore_mem>>) src(%dma_wait3A_518 : memref<100000x64xf32, #tpu.memory_space<hbm>>) dst(%dma_wait3A_512 : memref<128x64xf32, #tpu.memory_space<vmem>>)
      %mul3A_519 = arith.constant 128 : i32
      %mul3A_520 = arith.muli %add3A_481, %mul3A_519 : i32
      %add3A_521 = arith.addi %mul3A_2, %mul3A_520 : i32
      %dma_start3A_522 = arith.constant 1 : i32
      %dma_start3A_523 = arith.constant 0 : i32
      %dma_start3A_524 = arith.constant 0 : i32
      %dma_start3A_525 = tpu.memref_slice %arg6[%dma_start3A_522, %dma_start3A_523, %dma_start3A_524] : memref<4x128x64xf32, #tpu.memory_space<vmem>> -> memref<1x128x64xf32, #tpu.memory_space<vmem>>
      %dma_start3A_526 = tpu.memref_squeeze %dma_start3A_525 : memref<1x128x64xf32, #tpu.memory_space<vmem>> -> memref<128x64xf32, #tpu.memory_space<vmem>>
      %dma_start3A_527 = arith.constant 0 : i32
      %dma_start3A_528 = tpu.memref_slice %arg4[%add3A_521, %dma_start3A_527] : memref<819200x64xf32, #tpu.memory_space<hbm>> -> memref<128x64xf32, #tpu.memory_space<hbm>>
      %dma_start3A_529 = arith.constant 0 : i32
      %dma_start3A_530 = tpu.memref_slice %arg4[%add3A_521, %dma_start3A_529] : memref<819200x64xf32, #tpu.memory_space<hbm>> -> memref<128x64xf32, #tpu.memory_space<hbm>>
      %dma_start3A_531 = arith.constant 0 : i32
      %dma_start3A_532 = arith.constant 0 : i32
      %dma_start3A_533 = tpu.memref_slice %arg6[%dma_start3A_522, %dma_start3A_531, %dma_start3A_532] : memref<4x128x64xf32, #tpu.memory_space<vmem>> -> memref<1x128x64xf32, #tpu.memory_space<vmem>>
      %dma_start3A_534 = tpu.memref_squeeze %dma_start3A_533 : memref<1x128x64xf32, #tpu.memory_space<vmem>> -> memref<128x64xf32, #tpu.memory_space<vmem>>
      tpu.enqueue_dma source(%dma_start3A_534 : memref<128x64xf32, #tpu.memory_space<vmem>>) target(%dma_start3A_530 : memref<128x64xf32, #tpu.memory_space<hbm>>) target_semaphore(%arg12 : memref<!tpu.dma_semaphore, #tpu.memory_space<semaphore_mem>>)
      %add3A_535 = arith.constant 2 : i32
      %add3A_536 = arith.addi %mul3A_424, %add3A_535 : i32
      %dma_wait3A_537 = arith.constant 1 : i32
      %dma_wait3A_538 = arith.constant 0 : i32
      %dma_wait3A_539 = arith.constant 0 : i32
      %dma_wait3A_540 = tpu.memref_slice %arg6[%dma_wait3A_537, %dma_wait3A_538, %dma_wait3A_539] : memref<4x128x64xf32, #tpu.memory_space<vmem>> -> memref<1x128x64xf32, #tpu.memory_space<vmem>>
      %dma_wait3A_541 = tpu.memref_squeeze %dma_wait3A_540 : memref<1x128x64xf32, #tpu.memory_space<vmem>> -> memref<128x64xf32, #tpu.memory_space<vmem>>
      %dma_wait3A_542 = arith.constant 0 : i32
      %dma_wait3A_543 = tpu.memref_slice %arg4[%mul3A_2, %dma_wait3A_542] : memref<819200x64xf32, #tpu.memory_space<hbm>> -> memref<128x64xf32, #tpu.memory_space<hbm>>
      %dma_wait3A_544 = arith.constant 0 : i32
      %dma_wait3A_545 = tpu.memref_slice %arg4[%mul3A_2, %dma_wait3A_544] : memref<819200x64xf32, #tpu.memory_space<hbm>> -> memref<128x64xf32, #tpu.memory_space<hbm>>
      %dma_wait3A_546 = arith.constant 0 : i32
      %dma_wait3A_547 = arith.constant 0 : i32
      %dma_wait3A_548 = tpu.memref_slice %arg6[%dma_wait3A_537, %dma_wait3A_546, %dma_wait3A_547] : memref<4x128x64xf32, #tpu.memory_space<vmem>> -> memref<1x128x64xf32, #tpu.memory_space<vmem>>
      %dma_wait3A_549 = tpu.memref_squeeze %dma_wait3A_548 : memref<1x128x64xf32, #tpu.memory_space<vmem>> -> memref<128x64xf32, #tpu.memory_space<vmem>>
      tpu.wait_dma2 semaphore(%arg12 : memref<!tpu.dma_semaphore, #tpu.memory_space<semaphore_mem>>) src(%dma_wait3A_549 : memref<128x64xf32, #tpu.memory_space<vmem>>) dst(%dma_wait3A_545 : memref<128x64xf32, #tpu.memory_space<hbm>>)
      %add3A_550 = arith.constant 3 : i32
      %add3A_551 = arith.addi %add3A_536, %add3A_550 : i32
      %dma_start3A_552 = arith.constant 1 : i32
      %dma_start3A_553 = arith.constant 0 : i32
      %dma_start3A_554 = arith.constant 0 : i32
      %dma_start3A_555 = tpu.memref_slice %arg6[%dma_start3A_552, %dma_start3A_553, %dma_start3A_554] : memref<4x128x64xf32, #tpu.memory_space<vmem>> -> memref<1x128x64xf32, #tpu.memory_space<vmem>>
      %dma_start3A_556 = tpu.memref_squeeze %dma_start3A_555 : memref<1x128x64xf32, #tpu.memory_space<vmem>> -> memref<128x64xf32, #tpu.memory_space<vmem>>
      %dma_start3A_557 = arith.constant 0 : i32
      %dma_start3A_558 = tpu.memref_slice %arg5[%add3A_551, %dma_start3A_557] : memref<200x128xi32, #tpu.memory_space<vmem>> -> memref<1x128xi32, #tpu.memory_space<vmem>>
      %dma_start3A_559 = tpu.memref_squeeze %dma_start3A_558 : memref<1x128xi32, #tpu.memory_space<vmem>> -> memref<128xi32, #tpu.memory_space<vmem>>
      %dma_start3A_560 = arith.constant 0 : i32
      %dma_start3A_561 = arith.constant 0 : i32
      %dma_start3A_562 = tpu.memref_slice %arg2[%dma_start3A_560, %dma_start3A_561] : memref<100000x64xf32, #tpu.memory_space<hbm>> -> memref<100000x64xf32, #tpu.memory_space<hbm>>
      tpu.enqueue_indirect_dma source(%dma_start3A_562 : memref<100000x64xf32, #tpu.memory_space<hbm>>) target(%dma_start3A_556 : memref<128x64xf32, #tpu.memory_space<vmem>>) offsets(%dma_start3A_559 : memref<128xi32, #tpu.memory_space<vmem>>) semaphore(%arg8 : memref<!tpu.dma_semaphore, #tpu.memory_space<semaphore_mem>>)
      %dma_wait3A_563 = arith.constant 2 : i32
      %dma_wait3A_564 = arith.constant 0 : i32
      %dma_wait3A_565 = arith.constant 0 : i32
      %dma_wait3A_566 = tpu.memref_slice %arg6[%dma_wait3A_563, %dma_wait3A_564, %dma_wait3A_565] : memref<4x128x64xf32, #tpu.memory_space<vmem>> -> memref<1x128x64xf32, #tpu.memory_space<vmem>>
      %dma_wait3A_567 = tpu.memref_squeeze %dma_wait3A_566 : memref<1x128x64xf32, #tpu.memory_space<vmem>> -> memref<128x64xf32, #tpu.memory_space<vmem>>
      %dma_wait3A_568 = arith.constant 0 : i32
      %dma_wait3A_569 = tpu.memref_slice %arg5[%add3A_536, %dma_wait3A_568] : memref<200x128xi32, #tpu.memory_space<vmem>> -> memref<1x128xi32, #tpu.memory_space<vmem>>
      %dma_wait3A_570 = tpu.memref_squeeze %dma_wait3A_569 : memref<1x128xi32, #tpu.memory_space<vmem>> -> memref<128xi32, #tpu.memory_space<vmem>>
      %dma_wait3A_571 = arith.constant 0 : i32
      %dma_wait3A_572 = arith.constant 0 : i32
      %dma_wait3A_573 = tpu.memref_slice %arg2[%dma_wait3A_571, %dma_wait3A_572] : memref<100000x64xf32, #tpu.memory_space<hbm>> -> memref<100000x64xf32, #tpu.memory_space<hbm>>
      tpu.wait_indirect_dma semaphore(%arg9 : memref<!tpu.dma_semaphore, #tpu.memory_space<semaphore_mem>>) src(%dma_wait3A_573 : memref<100000x64xf32, #tpu.memory_space<hbm>>) dst(%dma_wait3A_567 : memref<128x64xf32, #tpu.memory_space<vmem>>)
      %mul3A_574 = arith.constant 128 : i32
      %mul3A_575 = arith.muli %add3A_536, %mul3A_574 : i32
      %add3A_576 = arith.addi %mul3A_2, %mul3A_575 : i32
      %dma_start3A_577 = arith.constant 2 : i32
      %dma_start3A_578 = arith.constant 0 : i32
      %dma_start3A_579 = arith.constant 0 : i32
      %dma_start3A_580 = tpu.memref_slice %arg6[%dma_start3A_577, %dma_start3A_578, %dma_start3A_579] : memref<4x128x64xf32, #tpu.memory_space<vmem>> -> memref<1x128x64xf32, #tpu.memory_space<vmem>>
      %dma_start3A_581 = tpu.memref_squeeze %dma_start3A_580 : memref<1x128x64xf32, #tpu.memory_space<vmem>> -> memref<128x64xf32, #tpu.memory_space<vmem>>
      %dma_start3A_582 = arith.constant 0 : i32
      %dma_start3A_583 = tpu.memref_slice %arg4[%add3A_576, %dma_start3A_582] : memref<819200x64xf32, #tpu.memory_space<hbm>> -> memref<128x64xf32, #tpu.memory_space<hbm>>
      %dma_start3A_584 = arith.constant 0 : i32
      %dma_start3A_585 = tpu.memref_slice %arg4[%add3A_576, %dma_start3A_584] : memref<819200x64xf32, #tpu.memory_space<hbm>> -> memref<128x64xf32, #tpu.memory_space<hbm>>
      %dma_start3A_586 = arith.constant 0 : i32
      %dma_start3A_587 = arith.constant 0 : i32
      %dma_start3A_588 = tpu.memref_slice %arg6[%dma_start3A_577, %dma_start3A_586, %dma_start3A_587] : memref<4x128x64xf32, #tpu.memory_space<vmem>> -> memref<1x128x64xf32, #tpu.memory_space<vmem>>
      %dma_start3A_589 = tpu.memref_squeeze %dma_start3A_588 : memref<1x128x64xf32, #tpu.memory_space<vmem>> -> memref<128x64xf32, #tpu.memory_space<vmem>>
      tpu.enqueue_dma source(%dma_start3A_589 : memref<128x64xf32, #tpu.memory_space<vmem>>) target(%dma_start3A_585 : memref<128x64xf32, #tpu.memory_space<hbm>>) target_semaphore(%arg13 : memref<!tpu.dma_semaphore, #tpu.memory_space<semaphore_mem>>)
      %add3A_590 = arith.constant 3 : i32
      %add3A_591 = arith.addi %mul3A_424, %add3A_590 : i32
      %dma_wait3A_592 = arith.constant 2 : i32
      %dma_wait3A_593 = arith.constant 0 : i32
      %dma_wait3A_594 = arith.constant 0 : i32
      %dma_wait3A_595 = tpu.memref_slice %arg6[%dma_wait3A_592, %dma_wait3A_593, %dma_wait3A_594] : memref<4x128x64xf32, #tpu.memory_space<vmem>> -> memref<1x128x64xf32, #tpu.memory_space<vmem>>
      %dma_wait3A_596 = tpu.memref_squeeze %dma_wait3A_595 : memref<1x128x64xf32, #tpu.memory_space<vmem>> -> memref<128x64xf32, #tpu.memory_space<vmem>>
      %dma_wait3A_597 = arith.constant 0 : i32
      %dma_wait3A_598 = tpu.memref_slice %arg4[%mul3A_2, %dma_wait3A_597] : memref<819200x64xf32, #tpu.memory_space<hbm>> -> memref<128x64xf32, #tpu.memory_space<hbm>>
      %dma_wait3A_599 = arith.constant 0 : i32
      %dma_wait3A_600 = tpu.memref_slice %arg4[%mul3A_2, %dma_wait3A_599] : memref<819200x64xf32, #tpu.memory_space<hbm>> -> memref<128x64xf32, #tpu.memory_space<hbm>>
      %dma_wait3A_601 = arith.constant 0 : i32
      %dma_wait3A_602 = arith.constant 0 : i32
      %dma_wait3A_603 = tpu.memref_slice %arg6[%dma_wait3A_592, %dma_wait3A_601, %dma_wait3A_602] : memref<4x128x64xf32, #tpu.memory_space<vmem>> -> memref<1x128x64xf32, #tpu.memory_space<vmem>>
      %dma_wait3A_604 = tpu.memref_squeeze %dma_wait3A_603 : memref<1x128x64xf32, #tpu.memory_space<vmem>> -> memref<128x64xf32, #tpu.memory_space<vmem>>
      tpu.wait_dma2 semaphore(%arg13 : memref<!tpu.dma_semaphore, #tpu.memory_space<semaphore_mem>>) src(%dma_wait3A_604 : memref<128x64xf32, #tpu.memory_space<vmem>>) dst(%dma_wait3A_600 : memref<128x64xf32, #tpu.memory_space<hbm>>)
      %add3A_605 = arith.constant 3 : i32
      %add3A_606 = arith.addi %add3A_591, %add3A_605 : i32
      %dma_start3A_607 = arith.constant 2 : i32
      %dma_start3A_608 = arith.constant 0 : i32
      %dma_start3A_609 = arith.constant 0 : i32
      %dma_start3A_610 = tpu.memref_slice %arg6[%dma_start3A_607, %dma_start3A_608, %dma_start3A_609] : memref<4x128x64xf32, #tpu.memory_space<vmem>> -> memref<1x128x64xf32, #tpu.memory_space<vmem>>
      %dma_start3A_611 = tpu.memref_squeeze %dma_start3A_610 : memref<1x128x64xf32, #tpu.memory_space<vmem>> -> memref<128x64xf32, #tpu.memory_space<vmem>>
      %dma_start3A_612 = arith.constant 0 : i32
      %dma_start3A_613 = tpu.memref_slice %arg5[%add3A_606, %dma_start3A_612] : memref<200x128xi32, #tpu.memory_space<vmem>> -> memref<1x128xi32, #tpu.memory_space<vmem>>
      %dma_start3A_614 = tpu.memref_squeeze %dma_start3A_613 : memref<1x128xi32, #tpu.memory_space<vmem>> -> memref<128xi32, #tpu.memory_space<vmem>>
      %dma_start3A_615 = arith.constant 0 : i32
      %dma_start3A_616 = arith.constant 0 : i32
      %dma_start3A_617 = tpu.memref_slice %arg2[%dma_start3A_615, %dma_start3A_616] : memref<100000x64xf32, #tpu.memory_space<hbm>> -> memref<100000x64xf32, #tpu.memory_space<hbm>>
      tpu.enqueue_indirect_dma source(%dma_start3A_617 : memref<100000x64xf32, #tpu.memory_space<hbm>>) target(%dma_start3A_611 : memref<128x64xf32, #tpu.memory_space<vmem>>) offsets(%dma_start3A_614 : memref<128xi32, #tpu.memory_space<vmem>>) semaphore(%arg9 : memref<!tpu.dma_semaphore, #tpu.memory_space<semaphore_mem>>)
      %dma_wait3A_618 = arith.constant 3 : i32
      %dma_wait3A_619 = arith.constant 0 : i32
      %dma_wait3A_620 = arith.constant 0 : i32
      %dma_wait3A_621 = tpu.memref_slice %arg6[%dma_wait3A_618, %dma_wait3A_619, %dma_wait3A_620] : memref<4x128x64xf32, #tpu.memory_space<vmem>> -> memref<1x128x64xf32, #tpu.memory_space<vmem>>
      %dma_wait3A_622 = tpu.memref_squeeze %dma_wait3A_621 : memref<1x128x64xf32, #tpu.memory_space<vmem>> -> memref<128x64xf32, #tpu.memory_space<vmem>>
      %dma_wait3A_623 = arith.constant 0 : i32
      %dma_wait3A_624 = tpu.memref_slice %arg5[%add3A_591, %dma_wait3A_623] : memref<200x128xi32, #tpu.memory_space<vmem>> -> memref<1x128xi32, #tpu.memory_space<vmem>>
      %dma_wait3A_625 = tpu.memref_squeeze %dma_wait3A_624 : memref<1x128xi32, #tpu.memory_space<vmem>> -> memref<128xi32, #tpu.memory_space<vmem>>
      %dma_wait3A_626 = arith.constant 0 : i32
      %dma_wait3A_627 = arith.constant 0 : i32
      %dma_wait3A_628 = tpu.memref_slice %arg2[%dma_wait3A_626, %dma_wait3A_627] : memref<100000x64xf32, #tpu.memory_space<hbm>> -> memref<100000x64xf32, #tpu.memory_space<hbm>>
      tpu.wait_indirect_dma semaphore(%arg10 : memref<!tpu.dma_semaphore, #tpu.memory_space<semaphore_mem>>) src(%dma_wait3A_628 : memref<100000x64xf32, #tpu.memory_space<hbm>>) dst(%dma_wait3A_622 : memref<128x64xf32, #tpu.memory_space<vmem>>)
      %mul3A_629 = arith.constant 128 : i32
      %mul3A_630 = arith.muli %add3A_591, %mul3A_629 : i32
      %add3A_631 = arith.addi %mul3A_2, %mul3A_630 : i32
      %dma_start3A_632 = arith.constant 3 : i32
      %dma_start3A_633 = arith.constant 0 : i32
      %dma_start3A_634 = arith.constant 0 : i32
      %dma_start3A_635 = tpu.memref_slice %arg6[%dma_start3A_632, %dma_start3A_633, %dma_start3A_634] : memref<4x128x64xf32, #tpu.memory_space<vmem>> -> memref<1x128x64xf32, #tpu.memory_space<vmem>>
      %dma_start3A_636 = tpu.memref_squeeze %dma_start3A_635 : memref<1x128x64xf32, #tpu.memory_space<vmem>> -> memref<128x64xf32, #tpu.memory_space<vmem>>
      %dma_start3A_637 = arith.constant 0 : i32
      %dma_start3A_638 = tpu.memref_slice %arg4[%add3A_631, %dma_start3A_637] : memref<819200x64xf32, #tpu.memory_space<hbm>> -> memref<128x64xf32, #tpu.memory_space<hbm>>
      %dma_start3A_639 = arith.constant 0 : i32
      %dma_start3A_640 = tpu.memref_slice %arg4[%add3A_631, %dma_start3A_639] : memref<819200x64xf32, #tpu.memory_space<hbm>> -> memref<128x64xf32, #tpu.memory_space<hbm>>
      %dma_start3A_641 = arith.constant 0 : i32
      %dma_start3A_642 = arith.constant 0 : i32
      %dma_start3A_643 = tpu.memref_slice %arg6[%dma_start3A_632, %dma_start3A_641, %dma_start3A_642] : memref<4x128x64xf32, #tpu.memory_space<vmem>> -> memref<1x128x64xf32, #tpu.memory_space<vmem>>
      %dma_start3A_644 = tpu.memref_squeeze %dma_start3A_643 : memref<1x128x64xf32, #tpu.memory_space<vmem>> -> memref<128x64xf32, #tpu.memory_space<vmem>>
      tpu.enqueue_dma source(%dma_start3A_644 : memref<128x64xf32, #tpu.memory_space<vmem>>) target(%dma_start3A_640 : memref<128x64xf32, #tpu.memory_space<hbm>>) target_semaphore(%arg14 : memref<!tpu.dma_semaphore, #tpu.memory_space<semaphore_mem>>)
    }
    %scan3A_236 = arith.constant 48 : i32
    %dma_wait3A_237 = arith.constant 3 : i32
    %dma_wait3A_238 = arith.constant 0 : i32
    %dma_wait3A_239 = arith.constant 0 : i32
    %dma_wait3A_240 = tpu.memref_slice %arg6[%dma_wait3A_237, %dma_wait3A_238, %dma_wait3A_239] : memref<4x128x64xf32, #tpu.memory_space<vmem>> -> memref<1x128x64xf32, #tpu.memory_space<vmem>>
    %dma_wait3A_241 = tpu.memref_squeeze %dma_wait3A_240 : memref<1x128x64xf32, #tpu.memory_space<vmem>> -> memref<128x64xf32, #tpu.memory_space<vmem>>
    %dma_wait3A_242 = arith.constant 0 : i32
    %dma_wait3A_243 = tpu.memref_slice %arg4[%mul3A_2, %dma_wait3A_242] : memref<819200x64xf32, #tpu.memory_space<hbm>> -> memref<128x64xf32, #tpu.memory_space<hbm>>
    %dma_wait3A_244 = arith.constant 0 : i32
    %dma_wait3A_245 = tpu.memref_slice %arg4[%mul3A_2, %dma_wait3A_244] : memref<819200x64xf32, #tpu.memory_space<hbm>> -> memref<128x64xf32, #tpu.memory_space<hbm>>
    %dma_wait3A_246 = arith.constant 0 : i32
    %dma_wait3A_247 = arith.constant 0 : i32
    %dma_wait3A_248 = tpu.memref_slice %arg6[%dma_wait3A_237, %dma_wait3A_246, %dma_wait3A_247] : memref<4x128x64xf32, #tpu.memory_space<vmem>> -> memref<1x128x64xf32, #tpu.memory_space<vmem>>
    %dma_wait3A_249 = tpu.memref_squeeze %dma_wait3A_248 : memref<1x128x64xf32, #tpu.memory_space<vmem>> -> memref<128x64xf32, #tpu.memory_space<vmem>>
    tpu.wait_dma2 semaphore(%arg14 : memref<!tpu.dma_semaphore, #tpu.memory_space<semaphore_mem>>) src(%dma_wait3A_249 : memref<128x64xf32, #tpu.memory_space<vmem>>) dst(%dma_wait3A_245 : memref<128x64xf32, #tpu.memory_space<hbm>>)
    %dma_start3A_250 = arith.constant 199 : i32
    %dma_start3A_251 = arith.constant 3 : i32
    %dma_start3A_252 = arith.constant 0 : i32
    %dma_start3A_253 = arith.constant 0 : i32
    %dma_start3A_254 = tpu.memref_slice %arg6[%dma_start3A_251, %dma_start3A_252, %dma_start3A_253] : memref<4x128x64xf32, #tpu.memory_space<vmem>> -> memref<1x128x64xf32, #tpu.memory_space<vmem>>
    %dma_start3A_255 = tpu.memref_squeeze %dma_start3A_254 : memref<1x128x64xf32, #tpu.memory_space<vmem>> -> memref<128x64xf32, #tpu.memory_space<vmem>>
    %dma_start3A_256 = arith.constant 0 : i32
    %dma_start3A_257 = tpu.memref_slice %arg5[%dma_start3A_250, %dma_start3A_256] : memref<200x128xi32, #tpu.memory_space<vmem>> -> memref<1x128xi32, #tpu.memory_space<vmem>>
    %dma_start3A_258 = tpu.memref_squeeze %dma_start3A_257 : memref<1x128xi32, #tpu.memory_space<vmem>> -> memref<128xi32, #tpu.memory_space<vmem>>
    %dma_start3A_259 = arith.constant 0 : i32
    %dma_start3A_260 = arith.constant 0 : i32
    %dma_start3A_261 = tpu.memref_slice %arg2[%dma_start3A_259, %dma_start3A_260] : memref<100000x64xf32, #tpu.memory_space<hbm>> -> memref<100000x64xf32, #tpu.memory_space<hbm>>
    tpu.enqueue_indirect_dma source(%dma_start3A_261 : memref<100000x64xf32, #tpu.memory_space<hbm>>) target(%dma_start3A_255 : memref<128x64xf32, #tpu.memory_space<vmem>>) offsets(%dma_start3A_258 : memref<128xi32, #tpu.memory_space<vmem>>) semaphore(%arg10 : memref<!tpu.dma_semaphore, #tpu.memory_space<semaphore_mem>>)
    %dma_wait3A_262 = arith.constant 196 : i32
    %dma_wait3A_263 = arith.constant 0 : i32
    %dma_wait3A_264 = arith.constant 0 : i32
    %dma_wait3A_265 = arith.constant 0 : i32
    %dma_wait3A_266 = tpu.memref_slice %arg6[%dma_wait3A_263, %dma_wait3A_264, %dma_wait3A_265] : memref<4x128x64xf32, #tpu.memory_space<vmem>> -> memref<1x128x64xf32, #tpu.memory_space<vmem>>
    %dma_wait3A_267 = tpu.memref_squeeze %dma_wait3A_266 : memref<1x128x64xf32, #tpu.memory_space<vmem>> -> memref<128x64xf32, #tpu.memory_space<vmem>>
    %dma_wait3A_268 = arith.constant 0 : i32
    %dma_wait3A_269 = tpu.memref_slice %arg5[%dma_wait3A_262, %dma_wait3A_268] : memref<200x128xi32, #tpu.memory_space<vmem>> -> memref<1x128xi32, #tpu.memory_space<vmem>>
    %dma_wait3A_270 = tpu.memref_squeeze %dma_wait3A_269 : memref<1x128xi32, #tpu.memory_space<vmem>> -> memref<128xi32, #tpu.memory_space<vmem>>
    %dma_wait3A_271 = arith.constant 0 : i32
    %dma_wait3A_272 = arith.constant 0 : i32
    %dma_wait3A_273 = tpu.memref_slice %arg2[%dma_wait3A_271, %dma_wait3A_272] : memref<100000x64xf32, #tpu.memory_space<hbm>> -> memref<100000x64xf32, #tpu.memory_space<hbm>>
    tpu.wait_indirect_dma semaphore(%arg7 : memref<!tpu.dma_semaphore, #tpu.memory_space<semaphore_mem>>) src(%dma_wait3A_273 : memref<100000x64xf32, #tpu.memory_space<hbm>>) dst(%dma_wait3A_267 : memref<128x64xf32, #tpu.memory_space<vmem>>)
    %add3A_274 = arith.constant 25088 : i32
    %add3A_275 = arith.addi %mul3A_2, %add3A_274 : i32
    %dma_start3A_276 = arith.constant 0 : i32
    %dma_start3A_277 = arith.constant 0 : i32
    %dma_start3A_278 = arith.constant 0 : i32
    %dma_start3A_279 = tpu.memref_slice %arg6[%dma_start3A_276, %dma_start3A_277, %dma_start3A_278] : memref<4x128x64xf32, #tpu.memory_space<vmem>> -> memref<1x128x64xf32, #tpu.memory_space<vmem>>
    %dma_start3A_280 = tpu.memref_squeeze %dma_start3A_279 : memref<1x128x64xf32, #tpu.memory_space<vmem>> -> memref<128x64xf32, #tpu.memory_space<vmem>>
    %dma_start3A_281 = arith.constant 0 : i32
    %dma_start3A_282 = tpu.memref_slice %arg4[%add3A_275, %dma_start3A_281] : memref<819200x64xf32, #tpu.memory_space<hbm>> -> memref<128x64xf32, #tpu.memory_space<hbm>>
    %dma_start3A_283 = arith.constant 0 : i32
    %dma_start3A_284 = tpu.memref_slice %arg4[%add3A_275, %dma_start3A_283] : memref<819200x64xf32, #tpu.memory_space<hbm>> -> memref<128x64xf32, #tpu.memory_space<hbm>>
    %dma_start3A_285 = arith.constant 0 : i32
    %dma_start3A_286 = arith.constant 0 : i32
    %dma_start3A_287 = tpu.memref_slice %arg6[%dma_start3A_276, %dma_start3A_285, %dma_start3A_286] : memref<4x128x64xf32, #tpu.memory_space<vmem>> -> memref<1x128x64xf32, #tpu.memory_space<vmem>>
    %dma_start3A_288 = tpu.memref_squeeze %dma_start3A_287 : memref<1x128x64xf32, #tpu.memory_space<vmem>> -> memref<128x64xf32, #tpu.memory_space<vmem>>
    tpu.enqueue_dma source(%dma_start3A_288 : memref<128x64xf32, #tpu.memory_space<vmem>>) target(%dma_start3A_284 : memref<128x64xf32, #tpu.memory_space<hbm>>) target_semaphore(%arg11 : memref<!tpu.dma_semaphore, #tpu.memory_space<semaphore_mem>>)
    %dma_wait3A_289 = arith.constant 197 : i32
    %dma_wait3A_290 = arith.constant 1 : i32
    %dma_wait3A_291 = arith.constant 0 : i32
    %dma_wait3A_292 = arith.constant 0 : i32
    %dma_wait3A_293 = tpu.memref_slice %arg6[%dma_wait3A_290, %dma_wait3A_291, %dma_wait3A_292] : memref<4x128x64xf32, #tpu.memory_space<vmem>> -> memref<1x128x64xf32, #tpu.memory_space<vmem>>
    %dma_wait3A_294 = tpu.memref_squeeze %dma_wait3A_293 : memref<1x128x64xf32, #tpu.memory_space<vmem>> -> memref<128x64xf32, #tpu.memory_space<vmem>>
    %dma_wait3A_295 = arith.constant 0 : i32
    %dma_wait3A_296 = tpu.memref_slice %arg5[%dma_wait3A_289, %dma_wait3A_295] : memref<200x128xi32, #tpu.memory_space<vmem>> -> memref<1x128xi32, #tpu.memory_space<vmem>>
    %dma_wait3A_297 = tpu.memref_squeeze %dma_wait3A_296 : memref<1x128xi32, #tpu.memory_space<vmem>> -> memref<128xi32, #tpu.memory_space<vmem>>
    %dma_wait3A_298 = arith.constant 0 : i32
    %dma_wait3A_299 = arith.constant 0 : i32
    %dma_wait3A_300 = tpu.memref_slice %arg2[%dma_wait3A_298, %dma_wait3A_299] : memref<100000x64xf32, #tpu.memory_space<hbm>> -> memref<100000x64xf32, #tpu.memory_space<hbm>>
    tpu.wait_indirect_dma semaphore(%arg8 : memref<!tpu.dma_semaphore, #tpu.memory_space<semaphore_mem>>) src(%dma_wait3A_300 : memref<100000x64xf32, #tpu.memory_space<hbm>>) dst(%dma_wait3A_294 : memref<128x64xf32, #tpu.memory_space<vmem>>)
    %add3A_301 = arith.constant 25216 : i32
    %add3A_302 = arith.addi %mul3A_2, %add3A_301 : i32
    %dma_start3A_303 = arith.constant 1 : i32
    %dma_start3A_304 = arith.constant 0 : i32
    %dma_start3A_305 = arith.constant 0 : i32
    %dma_start3A_306 = tpu.memref_slice %arg6[%dma_start3A_303, %dma_start3A_304, %dma_start3A_305] : memref<4x128x64xf32, #tpu.memory_space<vmem>> -> memref<1x128x64xf32, #tpu.memory_space<vmem>>
    %dma_start3A_307 = tpu.memref_squeeze %dma_start3A_306 : memref<1x128x64xf32, #tpu.memory_space<vmem>> -> memref<128x64xf32, #tpu.memory_space<vmem>>
    %dma_start3A_308 = arith.constant 0 : i32
    %dma_start3A_309 = tpu.memref_slice %arg4[%add3A_302, %dma_start3A_308] : memref<819200x64xf32, #tpu.memory_space<hbm>> -> memref<128x64xf32, #tpu.memory_space<hbm>>
    %dma_start3A_310 = arith.constant 0 : i32
    %dma_start3A_311 = tpu.memref_slice %arg4[%add3A_302, %dma_start3A_310] : memref<819200x64xf32, #tpu.memory_space<hbm>> -> memref<128x64xf32, #tpu.memory_space<hbm>>
    %dma_start3A_312 = arith.constant 0 : i32
    %dma_start3A_313 = arith.constant 0 : i32
    %dma_start3A_314 = tpu.memref_slice %arg6[%dma_start3A_303, %dma_start3A_312, %dma_start3A_313] : memref<4x128x64xf32, #tpu.memory_space<vmem>> -> memref<1x128x64xf32, #tpu.memory_space<vmem>>
    %dma_start3A_315 = tpu.memref_squeeze %dma_start3A_314 : memref<1x128x64xf32, #tpu.memory_space<vmem>> -> memref<128x64xf32, #tpu.memory_space<vmem>>
    tpu.enqueue_dma source(%dma_start3A_315 : memref<128x64xf32, #tpu.memory_space<vmem>>) target(%dma_start3A_311 : memref<128x64xf32, #tpu.memory_space<hbm>>) target_semaphore(%arg12 : memref<!tpu.dma_semaphore, #tpu.memory_space<semaphore_mem>>)
    %dma_wait3A_316 = arith.constant 198 : i32
    %dma_wait3A_317 = arith.constant 2 : i32
    %dma_wait3A_318 = arith.constant 0 : i32
    %dma_wait3A_319 = arith.constant 0 : i32
    %dma_wait3A_320 = tpu.memref_slice %arg6[%dma_wait3A_317, %dma_wait3A_318, %dma_wait3A_319] : memref<4x128x64xf32, #tpu.memory_space<vmem>> -> memref<1x128x64xf32, #tpu.memory_space<vmem>>
    %dma_wait3A_321 = tpu.memref_squeeze %dma_wait3A_320 : memref<1x128x64xf32, #tpu.memory_space<vmem>> -> memref<128x64xf32, #tpu.memory_space<vmem>>
    %dma_wait3A_322 = arith.constant 0 : i32
    %dma_wait3A_323 = tpu.memref_slice %arg5[%dma_wait3A_316, %dma_wait3A_322] : memref<200x128xi32, #tpu.memory_space<vmem>> -> memref<1x128xi32, #tpu.memory_space<vmem>>
    %dma_wait3A_324 = tpu.memref_squeeze %dma_wait3A_323 : memref<1x128xi32, #tpu.memory_space<vmem>> -> memref<128xi32, #tpu.memory_space<vmem>>
    %dma_wait3A_325 = arith.constant 0 : i32
    %dma_wait3A_326 = arith.constant 0 : i32
    %dma_wait3A_327 = tpu.memref_slice %arg2[%dma_wait3A_325, %dma_wait3A_326] : memref<100000x64xf32, #tpu.memory_space<hbm>> -> memref<100000x64xf32, #tpu.memory_space<hbm>>
    tpu.wait_indirect_dma semaphore(%arg9 : memref<!tpu.dma_semaphore, #tpu.memory_space<semaphore_mem>>) src(%dma_wait3A_327 : memref<100000x64xf32, #tpu.memory_space<hbm>>) dst(%dma_wait3A_321 : memref<128x64xf32, #tpu.memory_space<vmem>>)
    %add3A_328 = arith.constant 25344 : i32
    %add3A_329 = arith.addi %mul3A_2, %add3A_328 : i32
    %dma_start3A_330 = arith.constant 2 : i32
    %dma_start3A_331 = arith.constant 0 : i32
    %dma_start3A_332 = arith.constant 0 : i32
    %dma_start3A_333 = tpu.memref_slice %arg6[%dma_start3A_330, %dma_start3A_331, %dma_start3A_332] : memref<4x128x64xf32, #tpu.memory_space<vmem>> -> memref<1x128x64xf32, #tpu.memory_space<vmem>>
    %dma_start3A_334 = tpu.memref_squeeze %dma_start3A_333 : memref<1x128x64xf32, #tpu.memory_space<vmem>> -> memref<128x64xf32, #tpu.memory_space<vmem>>
    %dma_start3A_335 = arith.constant 0 : i32
    %dma_start3A_336 = tpu.memref_slice %arg4[%add3A_329, %dma_start3A_335] : memref<819200x64xf32, #tpu.memory_space<hbm>> -> memref<128x64xf32, #tpu.memory_space<hbm>>
    %dma_start3A_337 = arith.constant 0 : i32
    %dma_start3A_338 = tpu.memref_slice %arg4[%add3A_329, %dma_start3A_337] : memref<819200x64xf32, #tpu.memory_space<hbm>> -> memref<128x64xf32, #tpu.memory_space<hbm>>
    %dma_start3A_339 = arith.constant 0 : i32
    %dma_start3A_340 = arith.constant 0 : i32
    %dma_start3A_341 = tpu.memref_slice %arg6[%dma_start3A_330, %dma_start3A_339, %dma_start3A_340] : memref<4x128x64xf32, #tpu.memory_space<vmem>> -> memref<1x128x64xf32, #tpu.memory_space<vmem>>
    %dma_start3A_342 = tpu.memref_squeeze %dma_start3A_341 : memref<1x128x64xf32, #tpu.memory_space<vmem>> -> memref<128x64xf32, #tpu.memory_space<vmem>>
    tpu.enqueue_dma source(%dma_start3A_342 : memref<128x64xf32, #tpu.memory_space<vmem>>) target(%dma_start3A_338 : memref<128x64xf32, #tpu.memory_space<hbm>>) target_semaphore(%arg13 : memref<!tpu.dma_semaphore, #tpu.memory_space<semaphore_mem>>)
    %dma_wait3A_343 = arith.constant 199 : i32
    %dma_wait3A_344 = arith.constant 3 : i32
    %dma_wait3A_345 = arith.constant 0 : i32
    %dma_wait3A_346 = arith.constant 0 : i32
    %dma_wait3A_347 = tpu.memref_slice %arg6[%dma_wait3A_344, %dma_wait3A_345, %dma_wait3A_346] : memref<4x128x64xf32, #tpu.memory_space<vmem>> -> memref<1x128x64xf32, #tpu.memory_space<vmem>>
    %dma_wait3A_348 = tpu.memref_squeeze %dma_wait3A_347 : memref<1x128x64xf32, #tpu.memory_space<vmem>> -> memref<128x64xf32, #tpu.memory_space<vmem>>
    %dma_wait3A_349 = arith.constant 0 : i32
    %dma_wait3A_350 = tpu.memref_slice %arg5[%dma_wait3A_343, %dma_wait3A_349] : memref<200x128xi32, #tpu.memory_space<vmem>> -> memref<1x128xi32, #tpu.memory_space<vmem>>
    %dma_wait3A_351 = tpu.memref_squeeze %dma_wait3A_350 : memref<1x128xi32, #tpu.memory_space<vmem>> -> memref<128xi32, #tpu.memory_space<vmem>>
    %dma_wait3A_352 = arith.constant 0 : i32
    %dma_wait3A_353 = arith.constant 0 : i32
    %dma_wait3A_354 = tpu.memref_slice %arg2[%dma_wait3A_352, %dma_wait3A_353] : memref<100000x64xf32, #tpu.memory_space<hbm>> -> memref<100000x64xf32, #tpu.memory_space<hbm>>
    tpu.wait_indirect_dma semaphore(%arg10 : memref<!tpu.dma_semaphore, #tpu.memory_space<semaphore_mem>>) src(%dma_wait3A_354 : memref<100000x64xf32, #tpu.memory_space<hbm>>) dst(%dma_wait3A_348 : memref<128x64xf32, #tpu.memory_space<vmem>>)
    %add3A_355 = arith.constant 25472 : i32
    %add3A_356 = arith.addi %mul3A_2, %add3A_355 : i32
    %dma_start3A_357 = arith.constant 3 : i32
    %dma_start3A_358 = arith.constant 0 : i32
    %dma_start3A_359 = arith.constant 0 : i32
    %dma_start3A_360 = tpu.memref_slice %arg6[%dma_start3A_357, %dma_start3A_358, %dma_start3A_359] : memref<4x128x64xf32, #tpu.memory_space<vmem>> -> memref<1x128x64xf32, #tpu.memory_space<vmem>>
    %dma_start3A_361 = tpu.memref_squeeze %dma_start3A_360 : memref<1x128x64xf32, #tpu.memory_space<vmem>> -> memref<128x64xf32, #tpu.memory_space<vmem>>
    %dma_start3A_362 = arith.constant 0 : i32
    %dma_start3A_363 = tpu.memref_slice %arg4[%add3A_356, %dma_start3A_362] : memref<819200x64xf32, #tpu.memory_space<hbm>> -> memref<128x64xf32, #tpu.memory_space<hbm>>
    %dma_start3A_364 = arith.constant 0 : i32
    %dma_start3A_365 = tpu.memref_slice %arg4[%add3A_356, %dma_start3A_364] : memref<819200x64xf32, #tpu.memory_space<hbm>> -> memref<128x64xf32, #tpu.memory_space<hbm>>
    %dma_start3A_366 = arith.constant 0 : i32
    %dma_start3A_367 = arith.constant 0 : i32
    %dma_start3A_368 = tpu.memref_slice %arg6[%dma_start3A_357, %dma_start3A_366, %dma_start3A_367] : memref<4x128x64xf32, #tpu.memory_space<vmem>> -> memref<1x128x64xf32, #tpu.memory_space<vmem>>
    %dma_start3A_369 = tpu.memref_squeeze %dma_start3A_368 : memref<1x128x64xf32, #tpu.memory_space<vmem>> -> memref<128x64xf32, #tpu.memory_space<vmem>>
    tpu.enqueue_dma source(%dma_start3A_369 : memref<128x64xf32, #tpu.memory_space<vmem>>) target(%dma_start3A_365 : memref<128x64xf32, #tpu.memory_space<hbm>>) target_semaphore(%arg14 : memref<!tpu.dma_semaphore, #tpu.memory_space<semaphore_mem>>)
    %dma_wait3A_370 = arith.constant 0 : i32
    %dma_wait3A_371 = arith.constant 0 : i32
    %dma_wait3A_372 = arith.constant 0 : i32
    %dma_wait3A_373 = tpu.memref_slice %arg6[%dma_wait3A_370, %dma_wait3A_371, %dma_wait3A_372] : memref<4x128x64xf32, #tpu.memory_space<vmem>> -> memref<1x128x64xf32, #tpu.memory_space<vmem>>
    %dma_wait3A_374 = tpu.memref_squeeze %dma_wait3A_373 : memref<1x128x64xf32, #tpu.memory_space<vmem>> -> memref<128x64xf32, #tpu.memory_space<vmem>>
    %dma_wait3A_375 = arith.constant 0 : i32
    %dma_wait3A_376 = tpu.memref_slice %arg4[%mul3A_2, %dma_wait3A_375] : memref<819200x64xf32, #tpu.memory_space<hbm>> -> memref<128x64xf32, #tpu.memory_space<hbm>>
    %dma_wait3A_377 = arith.constant 0 : i32
    %dma_wait3A_378 = tpu.memref_slice %arg4[%mul3A_2, %dma_wait3A_377] : memref<819200x64xf32, #tpu.memory_space<hbm>> -> memref<128x64xf32, #tpu.memory_space<hbm>>
    %dma_wait3A_379 = arith.constant 0 : i32
    %dma_wait3A_380 = arith.constant 0 : i32
    %dma_wait3A_381 = tpu.memref_slice %arg6[%dma_wait3A_370, %dma_wait3A_379, %dma_wait3A_380] : memref<4x128x64xf32, #tpu.memory_space<vmem>> -> memref<1x128x64xf32, #tpu.memory_space<vmem>>
    %dma_wait3A_382 = tpu.memref_squeeze %dma_wait3A_381 : memref<1x128x64xf32, #tpu.memory_space<vmem>> -> memref<128x64xf32, #tpu.memory_space<vmem>>
    tpu.wait_dma2 semaphore(%arg11 : memref<!tpu.dma_semaphore, #tpu.memory_space<semaphore_mem>>) src(%dma_wait3A_382 : memref<128x64xf32, #tpu.memory_space<vmem>>) dst(%dma_wait3A_378 : memref<128x64xf32, #tpu.memory_space<hbm>>)
    %dma_wait3A_383 = arith.constant 1 : i32
    %dma_wait3A_384 = arith.constant 0 : i32
    %dma_wait3A_385 = arith.constant 0 : i32
    %dma_wait3A_386 = tpu.memref_slice %arg6[%dma_wait3A_383, %dma_wait3A_384, %dma_wait3A_385] : memref<4x128x64xf32, #tpu.memory_space<vmem>> -> memref<1x128x64xf32, #tpu.memory_space<vmem>>
    %dma_wait3A_387 = tpu.memref_squeeze %dma_wait3A_386 : memref<1x128x64xf32, #tpu.memory_space<vmem>> -> memref<128x64xf32, #tpu.memory_space<vmem>>
    %dma_wait3A_388 = arith.constant 0 : i32
    %dma_wait3A_389 = tpu.memref_slice %arg4[%mul3A_2, %dma_wait3A_388] : memref<819200x64xf32, #tpu.memory_space<hbm>> -> memref<128x64xf32, #tpu.memory_space<hbm>>
    %dma_wait3A_390 = arith.constant 0 : i32
    %dma_wait3A_391 = tpu.memref_slice %arg4[%mul3A_2, %dma_wait3A_390] : memref<819200x64xf32, #tpu.memory_space<hbm>> -> memref<128x64xf32, #tpu.memory_space<hbm>>
    %dma_wait3A_392 = arith.constant 0 : i32
    %dma_wait3A_393 = arith.constant 0 : i32
    %dma_wait3A_394 = tpu.memref_slice %arg6[%dma_wait3A_383, %dma_wait3A_392, %dma_wait3A_393] : memref<4x128x64xf32, #tpu.memory_space<vmem>> -> memref<1x128x64xf32, #tpu.memory_space<vmem>>
    %dma_wait3A_395 = tpu.memref_squeeze %dma_wait3A_394 : memref<1x128x64xf32, #tpu.memory_space<vmem>> -> memref<128x64xf32, #tpu.memory_space<vmem>>
    tpu.wait_dma2 semaphore(%arg12 : memref<!tpu.dma_semaphore, #tpu.memory_space<semaphore_mem>>) src(%dma_wait3A_395 : memref<128x64xf32, #tpu.memory_space<vmem>>) dst(%dma_wait3A_391 : memref<128x64xf32, #tpu.memory_space<hbm>>)
    %dma_wait3A_396 = arith.constant 2 : i32
    %dma_wait3A_397 = arith.constant 0 : i32
    %dma_wait3A_398 = arith.constant 0 : i32
    %dma_wait3A_399 = tpu.memref_slice %arg6[%dma_wait3A_396, %dma_wait3A_397, %dma_wait3A_398] : memref<4x128x64xf32, #tpu.memory_space<vmem>> -> memref<1x128x64xf32, #tpu.memory_space<vmem>>
    %dma_wait3A_400 = tpu.memref_squeeze %dma_wait3A_399 : memref<1x128x64xf32, #tpu.memory_space<vmem>> -> memref<128x64xf32, #tpu.memory_space<vmem>>
    %dma_wait3A_401 = arith.constant 0 : i32
    %dma_wait3A_402 = tpu.memref_slice %arg4[%mul3A_2, %dma_wait3A_401] : memref<819200x64xf32, #tpu.memory_space<hbm>> -> memref<128x64xf32, #tpu.memory_space<hbm>>
    %dma_wait3A_403 = arith.constant 0 : i32
    %dma_wait3A_404 = tpu.memref_slice %arg4[%mul3A_2, %dma_wait3A_403] : memref<819200x64xf32, #tpu.memory_space<hbm>> -> memref<128x64xf32, #tpu.memory_space<hbm>>
    %dma_wait3A_405 = arith.constant 0 : i32
    %dma_wait3A_406 = arith.constant 0 : i32
    %dma_wait3A_407 = tpu.memref_slice %arg6[%dma_wait3A_396, %dma_wait3A_405, %dma_wait3A_406] : memref<4x128x64xf32, #tpu.memory_space<vmem>> -> memref<1x128x64xf32, #tpu.memory_space<vmem>>
    %dma_wait3A_408 = tpu.memref_squeeze %dma_wait3A_407 : memref<1x128x64xf32, #tpu.memory_space<vmem>> -> memref<128x64xf32, #tpu.memory_space<vmem>>
    tpu.wait_dma2 semaphore(%arg13 : memref<!tpu.dma_semaphore, #tpu.memory_space<semaphore_mem>>) src(%dma_wait3A_408 : memref<128x64xf32, #tpu.memory_space<vmem>>) dst(%dma_wait3A_404 : memref<128x64xf32, #tpu.memory_space<hbm>>)
    %dma_wait3A_409 = arith.constant 3 : i32
    %dma_wait3A_410 = arith.constant 0 : i32
    %dma_wait3A_411 = arith.constant 0 : i32
    %dma_wait3A_412 = tpu.memref_slice %arg6[%dma_wait3A_409, %dma_wait3A_410, %dma_wait3A_411] : memref<4x128x64xf32, #tpu.memory_space<vmem>> -> memref<1x128x64xf32, #tpu.memory_space<vmem>>
    %dma_wait3A_413 = tpu.memref_squeeze %dma_wait3A_412 : memref<1x128x64xf32, #tpu.memory_space<vmem>> -> memref<128x64xf32, #tpu.memory_space<vmem>>
    %dma_wait3A_414 = arith.constant 0 : i32
    %dma_wait3A_415 = tpu.memref_slice %arg4[%mul3A_2, %dma_wait3A_414] : memref<819200x64xf32, #tpu.memory_space<hbm>> -> memref<128x64xf32, #tpu.memory_space<hbm>>
    %dma_wait3A_416 = arith.constant 0 : i32
    %dma_wait3A_417 = tpu.memref_slice %arg4[%mul3A_2, %dma_wait3A_416] : memref<819200x64xf32, #tpu.memory_space<hbm>> -> memref<128x64xf32, #tpu.memory_space<hbm>>
    %dma_wait3A_418 = arith.constant 0 : i32
    %dma_wait3A_419 = arith.constant 0 : i32
    %dma_wait3A_420 = tpu.memref_slice %arg6[%dma_wait3A_409, %dma_wait3A_418, %dma_wait3A_419] : memref<4x128x64xf32, #tpu.memory_space<vmem>> -> memref<1x128x64xf32, #tpu.memory_space<vmem>>
    %dma_wait3A_421 = tpu.memref_squeeze %dma_wait3A_420 : memref<1x128x64xf32, #tpu.memory_space<vmem>> -> memref<128x64xf32, #tpu.memory_space<vmem>>
    tpu.wait_dma2 semaphore(%arg14 : memref<!tpu.dma_semaphore, #tpu.memory_space<semaphore_mem>>) src(%dma_wait3A_421 : memref<128x64xf32, #tpu.memory_space<vmem>>) dst(%dma_wait3A_417 : memref<128x64xf32, #tpu.memory_space<hbm>>)
    return
  }
}

module attributes {stable_mosaic.version = 14 : i64} {
  func.func @_idx_body(%arg0: memref<4096x200xf32, #tpu.memory_space<vmem>>, %arg1: memref<4096x200xi32, #tpu.memory_space<vmem>>) attributes {dimension_semantics = [], scalar_prefetch = 0 : i64, scratch_operands = 0 : i64, tpu.core_type = #tpu.core_type<tc>} {
    %get3A = arith.constant 0 : index
    %get3A_0 = arith.constant 0 : index
    %get3A_1 = vector.load %arg0[%get3A, %get3A_0] : memref<4096x200xf32, #tpu.memory_space<vmem>>, vector<4096x200xf32>
    %tanh3A = math.tanh %get3A_1 : vector<4096x200xf32>
    %add3A = arith.constant 1.000000e+00 : f32
    %add3A_2 = vector.broadcast %add3A : f32 to vector<4096x200xf32>
    %add3A_3 = arith.addf %tanh3A, %add3A_2 : vector<4096x200xf32>
    %mul3A = arith.constant 5.000000e+04 : f32
    %mul3A_4 = vector.broadcast %mul3A : f32 to vector<4096x200xf32>
    %mul3A_5 = arith.mulf %add3A_3, %mul3A_4 : vector<4096x200xf32>
    %convert_element_type3A = arith.fptosi %mul3A_5 : vector<4096x200xf32> to vector<4096x200xi32>
    %min3A = arith.constant 99999 : i32
    %min3A_6 = vector.broadcast %min3A : i32 to vector<4096x200xi32>
    %min3A_7 = arith.minsi %convert_element_type3A, %min3A_6 : vector<4096x200xi32>
    %swap3A = arith.constant 0 : index
    %swap3A_8 = arith.constant 0 : index
    %swap3A_9 = vector.load %arg1[%swap3A, %swap3A_8] : memref<4096x200xi32, #tpu.memory_space<vmem>>, vector<4096x200xi32>
    tpu.vector_store %arg1[%swap3A, %swap3A_8], %min3A_7 {strides = array<i32>} : memref<4096x200xi32, #tpu.memory_space<vmem>>, vector<4096x200xi32>,
    return
  }
}

</mosaic_0001>

<sc_bundles>
// kernel: kernel.4.cloned.1.call-start
scs
__scs_entry_jumppad:
0x0: {  	(pc) =	sbr.rel $0x88, $3  }
0x1: {  	(tag) =	ssettag $0x0;
	lr =	simm.s32 $0x1  }
0x2: {  	[smem:$0x3F9F] =	sst lr;
	_ =	strace $0xD0000000  }
0x3: {  	_ = 	snop  }
0x4: {  	_ = 	snop  }
0x5: {  	_ = 	snop  }
0x6: {  	_ = 	snop  }
0x7: {  	_ = 	snop  }
__scs_overlays_trampoline_lowered:
0x8: {  	[smem:$0x3FAE] =	sst s0  }
0x9: {  	[smem:$0x3FAF] =	sst s1  }
0xa: {  	[smem:$0x3FB0] =	sst s2  }
0xb: {  	[smem:$0x3FB1] =	sst s3  }
0xc: {  	[smem:$0x3FB2] =	sst s4  }
0xd: {  	[smem:$0x3FB3] =	sst s5  }
0xe: {  	[smem:$0x3FB4] =	sst s6  }
0xf: {  	[smem:$0x3FB5] =	sst s7  }
0x10: {  	[smem:$0x3FB6] =	sst s8  }
0x11: {  	[smem:$0x3FB7] =	sst s9;
	s0 =	simm.s32 @!p0 $0x0  }
0x12: {  	s1 =	sld [smem:$0x3F9D];
	s0 =	simm.s32 @p0 $0x1  }
0x13: {  	[smem:$0x3FB8] =	sst s0;
	s0 =	simm.s32 @!p1 $0x0  }
0x14: {  	s2 =	sld [smem:$0x3F9C];
	s0 =	simm.s32 @p1 $0x1  }
0x15: {  	[smem:$0x3FB9] =	sst s0;
	s0 =	simm.s32 @!p2 $0x0  }
0x16: {  	s3 =	sld [smem:$0x3FDB];
	s0 =	simm.s32 @p2 $0x1  }
0x17: {  	s4 =	simm.s32 $0x1BF5;
	[smem:$0x3FBB] =	sst s0  }
0x18: {  	s0 =	sld [smem:$0x3F9E];
	_ =	swait.ge [sflag:s4], $0x0  }
0x19: {  	s7 =	sld [smem:$0x3F9F]  }
0x1a: {  	s8 =	sadd.s32 $0xFFFFE003, lr  }
0x1b: {  	s9 =	sadd.s32 $0xFFFFFEF7, lr;
	s5 =	simm.s32 $0xFFFFFFFF;
	p2 =	slt.u32 s8, $0xFFFFF086  }
0x1c: {  	p1 =	slt.u32 s9, $0xF7A;
	s5 =	simm.s32 @!p2 $0x0  }
0x1d: {  	s5 =	simm.s32 @p1 $0x1;
	p0 =	seq.s32 s7, s2  }
0x1e: {  	s7 =	smul.u32 @!p0 $0xF7A, s2;
	p2 =	seq.s32 @!p0 s5, $0x0  }
0x1f: {  	s9 =	smul.u32 $0xF7A, s1;
	s8 =	simm.s32 @!p0 $0x1BF5;
	p2 =	por !p2, p0  }
0x20: {  	[sflag:s8] =	ssyncset.s32 @!p0 $0xFFFFF086;
	s6 =	sadd.s32 @!p0 s3, s7;
	s7 =	simm.s32 @!p0 $0x108  }
0x21: {  	s3 =	sadd.s32 s3, s9;
	s6 =	sadd.s32 @!p0 $0x88, s6;
	s7 =	simm.s32 @p2 $0x1082  }
0x22: {  	[simem:s7], [sflag:s8] =	dma.local @!p0 [hbm:s6], $0xF7A  }
0x23: {  	s9 =	sor.u32 $0xD0000000, s2;
	s6 =	simm.s32 $0x108;
	_ =	swait.ge @!p0 [sflag:s8], $0x0  }
0x24: {  	s3 =	sadd.s32 $0x88, s3;
	s6 =	simm.s32 @!p1 $0x1082;
	[sflag:s4] =	ssyncset.s32 $0xFFFFF086  }
0x25: {  	[simem:s6], [sflag:s4] =	dma.local [hbm:s3], $0xF7A  }
0x26: {  	[smem:$0x3F9F] =	sst s1;
	(tag) =	ssettag s2;
	_ =	strace s9  }
0x27: {  	s1 =	sld [smem:$0x3FAF]  }
0x28: {  	s2 =	sld [smem:$0x3FB0]  }
0x29: {  	s4 =	sld [smem:$0x3FB2]  }
0x2a: {  	p0 =	seq.s32 s5, $0x0;
	s5 =	sld [smem:$0x3FB3]  }
0x2b: {  	s6 =	sld [smem:$0x3FB4]  }
0x2c: {  	s7 =	sld [smem:$0x3FB5]  }
0x2d: {  	s3 =	simm.s32 $0x108;
	s8 =	sld [smem:$0x3FB6]  }
0x2e: {  	s3 =	simm.s32 @!p0 $0x1082;
	s9 =	sld [smem:$0x3FB7]  }
0x2f: {  	lr =	sadd.s32 s0, s3;
	s0 =	sld [smem:$0x3FAE]  }
0x30: {  	s3 =	sld [smem:$0x3FB1]  }
0x31: {  	[smem:$0x3FBA] =	sst s10  }
0x32: {  	s10 =	sld [smem:$0x3FB8];
	_ =	sdelay $0x3  }
0x33: {  	p0 =	seq.s32 s10, $0x1;
	s10 =	sld [smem:$0x3FBA];
	_ =	sdelay $0x3  }
0x34: {  	[smem:$0x3FBA] =	sst s10  }
0x35: {  	s10 =	sld [smem:$0x3FB9];
	_ =	sdelay $0x3  }
0x36: {  	p1 =	seq.s32 s10, $0x1;
	s10 =	sld [smem:$0x3FBA];
	_ =	sdelay $0x3  }
0x37: {  	[smem:$0x3FBA] =	sst s10  }
0x38: {  	s10 =	sld [smem:$0x3FBB]  }
0x39: {  	_ = 	snop;
	(pc) =	sbr.ind lr, $3  }
0x3a: {  	_ = 	snop  }
0x3b: {  	_ = 	snop  }
0x3c: {  	p2 =	seq.s32 s10, $0x1;
	s10 =	sld [smem:$0x3FBA]  }
0x3d: {  	_ =	shalt  }
0x3e: {  	_ =	shalt  }
0x3f: {  	_ =	shalt  }
0x40: {  	_ =	shalt  }
0x41: {  	_ =	shalt  }
0x42: {  	_ =	shalt  }
0x43: {  	_ =	shalt  }
0x44: {  	_ =	shalt  }
0x45: {  	_ =	shalt  }
0x46: {  	_ =	shalt  }
0x47: {  	_ =	shalt  }
0x48: {  	_ =	shalt  }
0x49: {  	_ =	shalt  }
0x4a: {  	_ =	shalt  }
0x4b: {  	_ =	shalt  }
0x4c: {  	_ =	shalt  }
0x4d: {  	_ =	shalt  }
0x4e: {  	_ =	shalt  }
0x4f: {  	_ =	shalt  }
0x50: {  	_ =	shalt  }
0x51: {  	_ =	shalt  }
0x52: {  	_ =	shalt  }
0x53: {  	_ =	shalt  }
0x54: {  	_ =	shalt  }
0x55: {  	_ =	shalt  }
0x56: {  	_ =	shalt  }
0x57: {  	_ =	shalt  }
0x58: {  	_ =	shalt  }
0x59: {  	_ =	shalt  }
0x5a: {  	_ =	shalt  }
0x5b: {  	_ =	shalt  }
0x5c: {  	_ =	shalt  }
0x5d: {  	_ =	shalt  }
0x5e: {  	_ =	shalt  }
0x5f: {  	_ =	shalt  }
0x60: {  	_ =	shalt  }
0x61: {  	_ =	shalt  }
0x62: {  	_ =	shalt  }
0x63: {  	_ =	shalt  }
0x64: {  	_ =	shalt  }
0x65: {  	_ =	shalt  }
0x66: {  	_ =	shalt  }
0x67: {  	_ =	shalt  }
0x68: {  	_ =	shalt  }
0x69: {  	_ =	shalt  }
0x6a: {  	_ =	shalt  }
0x6b: {  	_ =	shalt  }
0x6c: {  	_ =	shalt  }
0x6d: {  	_ =	shalt  }
0x6e: {  	_ =	shalt  }
0x6f: {  	_ =	shalt  }
0x70: {  	_ =	shalt  }
0x71: {  	_ =	shalt  }
0x72: {  	_ =	shalt  }
0x73: {  	_ =	shalt  }
0x74: {  	_ =	shalt  }
0x75: {  	_ =	shalt  }
0x76: {  	_ =	shalt  }
0x77: {  	_ =	shalt  }
0x78: {  	_ =	shalt  }
0x79: {  	_ =	shalt  }
0x7a: {  	_ =	shalt  }
0x7b: {  	_ =	shalt  }
0x7c: {  	_ =	shalt  }
0x7d: {  	_ =	shalt  }
0x7e: {  	_ =	shalt  }
0x7f: {  	_ =	shalt  }
0x80: {  	_ =	shalt  }
0x81: {  	_ =	shalt  }
0x82: {  	_ =	shalt  }
0x83: {  	_ =	shalt  }
0x84: {  	_ =	shalt  }
0x85: {  	_ =	shalt  }
0x86: {  	_ =	shalt  }
0x87: {  	_ =	shalt  }
.Lfunc_end0:
.L_simem_size_0:
called_computation.1_lowered:
.L_overlay_start_0:
0x88: {  	s2 =	sld [smem:$0x3FD9]  }
0x89: {  	s3 =	sld [smem:$0x3FFE];
	_ =	sdelay $0x1  }
0x8a: {  	s1 =	srdreg.scid  }
0x8b: {  	s0 =	sand.u32 $0x1, s1  }
0x8c: {  	s17 =	sshll.u32 s0, $0xA;
	s2 =	sadd.s32 s3, s2  }
0x8d: {  	s2 =	sadd.s32 s2, s17  }
0x8e: {  	[smem:$0x3FC6] =	sst s2  }
0x8f: {  	_ = 	snop  }
0x90: {  	s2 =	sld [smem:$0x3FD0];
	(tm) =	ssettm $0x1  }
0x91: {  	s18 =	sld [smem:$0x3FFB];
	_ =	sdelay $0x3  }
0x92: {  	_ =	strace s18  }
0x93: {  	s3 =	sld [smem:$0x3FFC];
	_ =	sdelay $0x3  }
0x94: {  	_ =	strace s3  }
0x95: {  	s3 =	sld [smem:$0x3FFD];
	_ =	sdelay $0x3  }
0x96: {  	_ =	strace s3  }
0x97: {  	_ =	strace $0x8FFFFFFF  }
0x98: {  	s19 =	sld [smem:$0x3FDB];
	_ =	sdelay $0x1  }
0x99: {  	s4 =	simm.s32 $_scs_section_size  }
0x9a: {  	s5 =	simm.s32 $_size__tile_overlayer_lowered;
	s6 =	simm.s32 $_tile_overlayer_lowered  }
0x9b: {  	s22 =	simm.s32 $0x1BFF;
	s21 =	sshll.u32 s6, $0x1;
	s3 =	sadd.s32 s4, s19  }
0x9c: {  	s7 =	simm.s32 $0x0;
	s20 =	sshll.u32 s5, $0x1;
	s5 =	sadd.s32 s21, s3  }
0x9d: {  	[timem:s7], [sflag:s22] =	dma.local [hbm:s5], s20  }
0x9e: {  	_ =	swait.ge [sflag:s22], s20  }
0x9f: {  	s4 =	ssub.s32 $0x0, s20;
	[sflag:s22] =	ssyncset.done $0x0  }
0xa0: {  	[sflag:s22] =	ssyncadd.s32 s4;
	_ =	sdelay $0x1  }
0xa1: {  	s23 =	simm.s32 $0x1B8B  }
0xa2: {  	_ =	swait.ge [sflag:s23], $0x1  }
0xa3: {  	[sflag:s23] =	ssyncset.done $0x0  }
0xa4: {  	s25 =	simm.s32 $0x1B8E;
	s24 =	sld [smem:$0x3FFE];
	[sflag:s23] =	ssyncadd.s32 $0xFFFFFFFF  }
0xa5: {  	s26 =	simm.s32 $execute0_lowered;
	[smem:$0x3FD2] =	sst s25  }
0xa6: {  	s5 =	sshll.u32 s26, $0x1;
	_ =	strace $0x80000046;
	[dreg:$0x1] =	wrdreg $0xFFFFFFFF  }
0xa7: {  	s28 =	simm.s32 $_size_execute0_lowered;
	s3 =	sadd.s32 s3, s5;
	[dreg:$0x0] =	wrdreg $0x0  }
0xa8: {  	s5 =	sshll.u32 s28, $0x1;
	[dreg:$0x2] =	wrdreg s3  }
0xa9: {  	[dreg:$0x3] =	wrdreg s5  }
0xaa: {  	[dreg:$0x4] =	wrdreg $0xC0  }
0xab: {  	_ =	task [dreg:s7], $0x5FFFF  }
0xac: {  	[dreg:$0x1] =	wrdreg $0xFFFFFFFF  }
0xad: {  	[dreg:$0x0] =	wrdreg $0x60  }
0xae: {  	[dreg:$0x2] =	wrdreg s24  }
0xaf: {  	[dreg:$0x3] =	wrdreg s2  }
0xb0: {  	[dreg:$0x4] =	wrdreg $0x9  }
0xb1: {  	_ =	task.clear_ibuf [dreg:s7], $0x5FFFF;
	_ =	strace $0x90000046  }
0xb2: {  	s29 =	simm.s32 $0x9;
	_ =	strace $0x80000048  }
0xb3: {  	_ =	swait.ge [sflag:s29], $0x1  }
0xb4: {  	[sflag:s29] =	ssyncadd.s32 $0xFFFFFFFF  }
0xb5: {  	_ =	strace $0x90000048  }
0xb6: {  	_ =	sfence  }
0xb7: {  	s30 =	sld [smem:$0x0];
	_ =	sdelay $0x2  }
0xb8: {  	s31 =	sshll.u32 s1, $0xD;
	s1 =	sshrl.u32 s1, $0x2  }
0xb9: {  	s3 =	sand.u32 $0x4000, s31;
	s1 =	sadd.s32 s1, s30  }
0xba: {  	s0 =	sor.u32 s3, s0;
	s1 =	sshll.u32 s1, $0x11  }
0xbb: {  	s0 =	sor.u32 s1, s0  }
0xbc: {  	s0 =	sadd.s32 $0x8F2B, s0  }
0xbd: {  	[sflag:s0] =	ssyncadd.remote.s32 $0x1  }
0xbe: {  	_ =	sfence.sel $0xFFFF  }
0xbf: {  	[dreg:$0x0] =	wrdreg $0xFFFFFFFF;
	(pc) =	sbr.abs _section_cstart, $3  }
0xc0: {  	[dreg:$0x1] =	wrdreg $0xFFFFFFFF  }
0xc1: {  	_ =	task.clear_ibuf [dreg:s7], $0x2FFFF;
	_ =	strace $0x9FFFFFFF  }
0xc2: {  	(tm) =	ssettm $0x7FFFFFFF  }
0xc3: {  	_ =	shalt  }
tec
execute0_lowered:
.L_overlay_start_1:
0x0: {  	(tag) =	ssettag $0x1  }
0x1: {  	s0 =	rddreg [dreg:$0x0];
	s1 =	srdreg.scid  }
0x2: {  	s10 =	stileid.u32;
	s5 =	rddreg [dreg:$0x1]  }
0x3: {  	s2 =	simm.s32 $0x0;
	s18 =	simm.s32 $0x9;
	s22 =	smul.u32 $0x320000, s10  }
0x4: {  	s19 =	simm.s32 $0x80;
	s1 =	sand.u32 $0x1, s1;
	s12 =	smul.u32 $0xC800, s10  }
0x5: {  	s20 =	simm.s32 $0x6400;
	s3 =	sshll.u32 s10, $0x1;
	s24 =	smul.u32 $0x190000, s1  }
0x6: {  	s4 =	sor.u32 s1, s3;
	s7 =	ssub.s32 $0x2, s1;
	s1 =	smul.u32 $0x6400, s1  }
0x7: {  	s28 =	simm.s32 $0x5;
	s30 =	simm.s32 $0x2;
	s6 =	smul.u32 $0x6400, s4  }
0x8: {  	s31 =	simm.s32 $0x6;
	[smem:$0x7FF] =	sst s2;
	s8 =	smul.u32 $0x32000, s4  }
0x9: {  	s29 =	simm.s32 $0x4;
	_ =	strace $0x80000047;
	s9 =	smul.u32 $0x190000, s4  }
0xa: {  	s3 =	sadd.s32 $0x19800, s0;
	s21 =	sshrl.u32 s7, $0x1;
	s1 =	sadd.s32 s1, s12  }
0xb: {  	s6 =	sshrl.u32 s6, $0x3;
	s4 =	sadd.s32 s5, s8;
	s9 =	sshrl.u32 s9, $0x3  }
0xc: {  	s1 =	sshll.u32 s1, $0x3;
	s0 =	sadd.s32 s6, s0;
	s6 =	ssub.s32 s7, s21  }
0xd: {  	s23 =	sadd.s32 $0x400, s4;
	s8 =	sadd.s32 $0x800, s4;
	s25 =	sadd.s32 $0xC00, s4  }
0xe: {  	s13 =	sadd.s32 s5, s9;
	s26 =	sadd.s32 s1, s5;
	[dreg:$0x4] =	wrdreg s23  }
0xf: {  	s21 =	simm.s32 $0x8400;
	s1 =	simm.s32 $0x8;
	[dreg:$0x5] =	wrdreg s8  }
0x10: {  	s0 =	sadd.s32 $0x800, s0;
	[dreg:$0x6] =	wrdreg s25;
	s9 =	sadd.s32 $0x31000, s13  }
0x11: {  	s10 =	sadd.s32 $0x31400, s13;
	s11 =	sadd.s32 $0x31800, s13;
	s12 =	sadd.s32 $0x31C00, s13  }
0x12: {  	s13 =	smax.u32 s6, $0x1;
	s15 =	sadd.s32 $0x1800, s26;
	s16 =	sadd.s32 $0x1400, s26  }
0x13: {  	s17 =	sadd.s32 $0x1C00, s26;
	[dreg:$0x3] =	wrdreg s0;
	s0 =	sadd.s32 s24, s22  }
0x14: {  	s23 =	simm.s32 $0xA400;
	s25 =	simm.s32 $0xC400;
	s0 =	sor.u32 $0x8000, s0  }
0x15: {  	s26 =	simm.s32 $0x1;
	s22 =	simm.s32 $0x7;
	s0 =	sshrl.u32 s0, $0x3  }
0x16: {  	s24 =	simm.s32 $0x0;
	s14 =	sadd.s32 s0, s5;
	s0 =	simm.s32 $0x3  }
.LBB2_1:
0x17: {  	s5 =	rddreg [dreg:$0x3]  }
0x18: {  	[tilespmem:s2], [sflag:$0x9] =	stream.linear.gather [hbm4b:s5+s2], $0x6400, $0x38;
	[tilespmem:$0xE400] =	vst v63  }
0x19: {  	_ =	swait.ge [sflag:s18], $0x6400  }
0x1a: {  	[sflag:s18] =	ssyncset.done $0x0  }
0x1b: {  	[sflag:s18] =	ssyncadd.s32 $0xFFFF9C00  }
0x1c: {  	[tilespmem:s20], [sflag:$0x1] =	stream.indirect.gather [hbm4b:s3+s19], $0x40, s2, s19, $0xb8;
	[tilespmem:$0xE400] =	vst v63  }
0x1d: {  	_ = 	snop  }
0x1e: {  	[tilespmem:s21], [sflag:$0x2] =	stream.indirect.gather [hbm4b:s3+s19], $0x40, s19, s19, $0xb8;
	[tilespmem:$0xE400] =	vst v63  }
0x1f: {  	s6 =	simm.s32 $0x100  }
0x20: {  	[tilespmem:s23], [sflag:$0x3] =	stream.indirect.gather [hbm4b:s3+s19], $0x40, s6, s19, $0xb8;
	[tilespmem:$0xE400] =	vst v63  }
0x21: {  	s7 =	simm.s32 $0x180  }
0x22: {  	[tilespmem:s25], [sflag:$0x4] =	stream.indirect.gather [hbm4b:s3+s19], $0x40, s7, s19, $0xb8;
	[tilespmem:$0xE400] =	vst v63  }
0x23: {  	_ =	swait.ge [sflag:s26], $0x2000  }
0x24: {  	[sflag:s26] =	ssyncset.done $0x0  }
0x25: {  	[sflag:s26] =	ssyncadd.s32 $0xFFFFE000  }
0x26: {  	[hbm4b:s4+s2] =	stream.linear.scatter [tilespmem:s20], [sflag:$0x5], $0x2000, $0x38;
	[tilespmem:$0xE400] =	vst v63  }
0x27: {  	_ =	swait.ge [sflag:s28], $0x2000  }
0x28: {  	[sflag:s28] =	ssyncset.done $0x0  }
0x29: {  	s8 =	simm.s32 $0x200;
	[sflag:s28] =	ssyncadd.s32 $0xFFFFE000  }
0x2a: {  	[tilespmem:s20], [sflag:$0x1] =	stream.indirect.gather [hbm4b:s3+s19], $0x40, s8, s19, $0xb8;
	[tilespmem:$0xE400] =	vst v63  }
0x2b: {  	_ =	swait.ge [sflag:s30], $0x2000  }
0x2c: {  	[sflag:s30] =	ssyncset.done $0x0  }
0x2d: {  	s6 =	rddreg [dreg:$0x4];
	[sflag:s30] =	ssyncadd.s32 $0xFFFFE000  }
0x2e: {  	[hbm4b:s6+s2] =	stream.linear.scatter [tilespmem:s21], [sflag:$0x6], $0x2000, $0x38;
	[tilespmem:$0xE400] =	vst v63  }
0x2f: {  	_ =	swait.ge [sflag:s31], $0x2000  }
0x30: {  	[sflag:s31] =	ssyncset.done $0x0  }
0x31: {  	s7 =	simm.s32 $0x280;
	[sflag:s31] =	ssyncadd.s32 $0xFFFFE000  }
0x32: {  	[tilespmem:s21], [sflag:$0x2] =	stream.indirect.gather [hbm4b:s3+s19], $0x40, s7, s19, $0xb8;
	[tilespmem:$0xE400] =	vst v63  }
0x33: {  	_ =	swait.ge [sflag:s0], $0x2000  }
0x34: {  	[sflag:s0] =	ssyncset.done $0x0  }
0x35: {  	s8 =	rddreg [dreg:$0x5];
	[sflag:s0] =	ssyncadd.s32 $0xFFFFE000  }
0x36: {  	[hbm4b:s8+s2] =	stream.linear.scatter [tilespmem:s23], [sflag:$0x7], $0x2000, $0x38;
	[tilespmem:$0xE400] =	vst v63  }
0x37: {  	_ =	swait.ge [sflag:s22], $0x2000  }
0x38: {  	[sflag:s22] =	ssyncset.done $0x0  }
0x39: {  	s6 =	simm.s32 $0x300;
	[sflag:s22] =	ssyncadd.s32 $0xFFFFE000  }
0x3a: {  	[tilespmem:s23], [sflag:$0x3] =	stream.indirect.gather [hbm4b:s3+s19], $0x40, s6, s19, $0xb8;
	[tilespmem:$0xE400] =	vst v63  }
0x3b: {  	_ =	swait.ge [sflag:s29], $0x2000  }
0x3c: {  	[sflag:s29] =	ssyncset.done $0x0  }
0x3d: {  	s7 =	rddreg [dreg:$0x6];
	[sflag:s29] =	ssyncadd.s32 $0xFFFFE000  }
0x3e: {  	[hbm4b:s7+s2] =	stream.linear.scatter [tilespmem:s25], [sflag:$0x8], $0x2000, $0x38;
	[tilespmem:$0xE400] =	vst v63  }
0x3f: {  	_ =	swait.ge [sflag:s1], $0x2000  }
0x40: {  	[sflag:s1] =	ssyncset.done $0x0  }
0x41: {  	s8 =	simm.s32 $0x380;
	[sflag:s1] =	ssyncadd.s32 $0xFFFFE000  }
0x42: {  	[tilespmem:s25], [sflag:$0x4] =	stream.indirect.gather [hbm4b:s3+s19], $0x40, s8, s19, $0xb8;
	[tilespmem:$0xE400] =	vst v63  }
0x43: {  	_ =	swait.ge [sflag:s26], $0x2000  }
0x44: {  	[sflag:s26] =	ssyncset.done $0x0  }
0x45: {  	s6 =	sadd.s32 $0x0, s14;
	[sflag:s26] =	ssyncadd.s32 $0xFFFFE000  }
0x46: {  	[hbm4b:s6+s2] =	stream.linear.scatter [tilespmem:s20], [sflag:$0x5], $0x2000, $0x38;
	[tilespmem:$0xE400] =	vst v63  }
0x47: {  	_ =	swait.ge [sflag:s28], $0x2000  }
0x48: {  	[sflag:s28] =	ssyncset.done $0x0  }
0x49: {  	s7 =	simm.s32 $0x400;
	[sflag:s28] =	ssyncadd.s32 $0xFFFFE000  }
0x4a: {  	[tilespmem:s20], [sflag:$0x1] =	stream.indirect.gather [hbm4b:s3+s19], $0x40, s7, s19, $0xb8;
	[tilespmem:$0xE400] =	vst v63  }
0x4b: {  	_ =	swait.ge [sflag:s30], $0x2000  }
0x4c: {  	[sflag:s30] =	ssyncset.done $0x0  }
0x4d: {  	s8 =	sadd.s32 $0x0, s16;
	[sflag:s30] =	ssyncadd.s32 $0xFFFFE000  }
0x4e: {  	[hbm4b:s8+s2] =	stream.linear.scatter [tilespmem:s21], [sflag:$0x6], $0x2000, $0x38;
	[tilespmem:$0xE400] =	vst v63  }
0x4f: {  	_ =	swait.ge [sflag:s31], $0x2000  }
0x50: {  	[sflag:s31] =	ssyncset.done $0x0  }
0x51: {  	s6 =	simm.s32 $0x480;
	[sflag:s31] =	ssyncadd.s32 $0xFFFFE000  }
0x52: {  	[tilespmem:s21], [sflag:$0x2] =	stream.indirect.gather [hbm4b:s3+s19], $0x40, s6, s19, $0xb8;
	[tilespmem:$0xE400] =	vst v63  }
0x53: {  	_ =	swait.ge [sflag:s0], $0x2000  }
0x54: {  	[sflag:s0] =	ssyncset.done $0x0  }
0x55: {  	s7 =	sadd.s32 $0x0, s15;
	[sflag:s0] =	ssyncadd.s32 $0xFFFFE000  }
0x56: {  	[hbm4b:s7+s2] =	stream.linear.scatter [tilespmem:s23], [sflag:$0x7], $0x2000, $0x38;
	[tilespmem:$0xE400] =	vst v63  }
0x57: {  	_ =	swait.ge [sflag:s22], $0x2000  }
0x58: {  	[sflag:s22] =	ssyncset.done $0x0  }
0x59: {  	s8 =	simm.s32 $0x500;
	[sflag:s22] =	ssyncadd.s32 $0xFFFFE000  }
0x5a: {  	[tilespmem:s23], [sflag:$0x3] =	stream.indirect.gather [hbm4b:s3+s19], $0x40, s8, s19, $0xb8;
	[tilespmem:$0xE400] =	vst v63  }
0x5b: {  	_ =	swait.ge [sflag:s29], $0x2000  }
0x5c: {  	s5 =	simm.s32 $0x1000;
	[sflag:s29] =	ssyncset.done $0x0  }
0x5d: {  	s6 =	simm.s32 $0x700;
	s7 =	sadd.s32 $0x0, s17;
	[sflag:s29] =	ssyncadd.s32 $0xFFFFE000  }
.LBB2_2:
0x5e: {  	[hbm4b:s7+s2] =	stream.linear.scatter [tilespmem:s25], [sflag:$0x8], $0x2000, $0x38;
	[tilespmem:$0xE400] =	vst v63  }
0x5f: {  	s7 =	smov.u32 s5  }
0x60: {  	p0 =	sne.s32 s5, $0x2F000;
	s5 =	sadd.s32 $0x1000, s5;
	_ =	swait.ge [sflag:s1], $0x2000  }
0x61: {  	[sflag:s1] =	ssyncset.done $0x0  }
0x62: {  	s8 =	sadd.s32 $0xFFFFFE80, s6;
	[sflag:s1] =	ssyncadd.s32 $0xFFFFE000  }
0x63: {  	[tilespmem:s25], [sflag:$0x4] =	stream.indirect.gather [hbm4b:s3+s19], $0x40, s8, s19, $0xb8;
	[tilespmem:$0xE400] =	vst v63  }
0x64: {  	_ =	swait.ge [sflag:s26], $0x2000  }
0x65: {  	[sflag:s26] =	ssyncset.done $0x0  }
0x66: {  	s8 =	sadd.s32 s7, s14;
	[sflag:s26] =	ssyncadd.s32 $0xFFFFE000  }
0x67: {  	[hbm4b:s8+s2] =	stream.linear.scatter [tilespmem:s20], [sflag:$0x5], $0x2000, $0x38;
	[tilespmem:$0xE400] =	vst v63  }
0x68: {  	_ =	swait.ge [sflag:s28], $0x2000  }
0x69: {  	[sflag:s28] =	ssyncset.done $0x0  }
0x6a: {  	s8 =	sadd.s32 $0xFFFFFF00, s6;
	[sflag:s28] =	ssyncadd.s32 $0xFFFFE000  }
0x6b: {  	[tilespmem:s20], [sflag:$0x1] =	stream.indirect.gather [hbm4b:s3+s19], $0x40, s8, s19, $0xb8;
	[tilespmem:$0xE400] =	vst v63  }
0x6c: {  	_ =	swait.ge [sflag:s30], $0x2000  }
0x6d: {  	[sflag:s30] =	ssyncset.done $0x0  }
0x6e: {  	s8 =	sadd.s32 s7, s16;
	[sflag:s30] =	ssyncadd.s32 $0xFFFFE000  }
0x6f: {  	[hbm4b:s8+s2] =	stream.linear.scatter [tilespmem:s21], [sflag:$0x6], $0x2000, $0x38;
	[tilespmem:$0xE400] =	vst v63  }
0x70: {  	_ =	swait.ge [sflag:s31], $0x2000  }
0x71: {  	[sflag:s31] =	ssyncset.done $0x0  }
0x72: {  	s8 =	sadd.s32 $0xFFFFFF80, s6;
	[sflag:s31] =	ssyncadd.s32 $0xFFFFE000  }
0x73: {  	[tilespmem:s21], [sflag:$0x2] =	stream.indirect.gather [hbm4b:s3+s19], $0x40, s8, s19, $0xb8;
	[tilespmem:$0xE400] =	vst v63  }
0x74: {  	_ =	swait.ge [sflag:s0], $0x2000  }
0x75: {  	[sflag:s0] =	ssyncset.done $0x0  }
0x76: {  	s8 =	sadd.s32 s7, s15;
	[sflag:s0] =	ssyncadd.s32 $0xFFFFE000  }
0x77: {  	[hbm4b:s8+s2] =	stream.linear.scatter [tilespmem:s23], [sflag:$0x7], $0x2000, $0x38;
	[tilespmem:$0xE400] =	vst v63  }
0x78: {  	_ =	swait.ge [sflag:s22], $0x2000  }
0x79: {  	[sflag:s22] =	ssyncset.done $0x0  }
.Ltmp0:
0x7a: {  	[sflag:s22] =	ssyncadd.s32 $0xFFFFE000;
	(pc) =	sbr.rel @p0 .LBB2_2-.Ltmp0, $4  }
0x7b: {  	[tilespmem:s23], [sflag:$0x3] =	stream.indirect.gather [hbm4b:s3+s19], $0x40, s6, s19, $0xb8;
	[tilespmem:$0xE400] =	vst v63  }
0x7c: {  	_ =	swait.ge [sflag:s29], $0x2000  }
0x7d: {  	[sflag:s29] =	ssyncset.done $0x0  }
0x7e: {  	s7 =	sadd.s32 s7, s17;
	s6 =	sadd.s32 $0x200, s6;
	[sflag:s29] =	ssyncadd.s32 $0xFFFFE000  }
0x7f: {  	[hbm4b:s7+s2] =	stream.linear.scatter [tilespmem:s25], [sflag:$0x8], $0x2000, $0x38;
	[tilespmem:$0xE400] =	vst v63  }
0x80: {  	_ =	swait.ge [sflag:s1], $0x2000  }
0x81: {  	[sflag:s1] =	ssyncset.done $0x0  }
0x82: {  	s5 =	simm.s32 $0x6380;
	[sflag:s1] =	ssyncadd.s32 $0xFFFFE000  }
0x83: {  	[tilespmem:s25], [sflag:$0x4] =	stream.indirect.gather [hbm4b:s3+s19], $0x40, s5, s19, $0xb8;
	[tilespmem:$0xE400] =	vst v63  }
0x84: {  	_ =	swait.ge [sflag:s26], $0x2000  }
0x85: {  	[sflag:s26] =	ssyncset.done $0x0  }
0x86: {  	[sflag:s26] =	ssyncadd.s32 $0xFFFFE000  }
0x87: {  	[hbm4b:s9+s2] =	stream.linear.scatter [tilespmem:s20], [sflag:$0x5], $0x2000, $0x38;
	[tilespmem:$0xE400] =	vst v63  }
0x88: {  	_ =	swait.ge [sflag:s30], $0x2000  }
0x89: {  	[sflag:s30] =	ssyncset.done $0x0  }
0x8a: {  	[sflag:s30] =	ssyncadd.s32 $0xFFFFE000  }
0x8b: {  	[hbm4b:s10+s2] =	stream.linear.scatter [tilespmem:s21], [sflag:$0x6], $0x2000, $0x38;
	[tilespmem:$0xE400] =	vst v63  }
0x8c: {  	_ =	swait.ge [sflag:s0], $0x2000  }
0x8d: {  	[sflag:s0] =	ssyncset.done $0x0  }
0x8e: {  	[sflag:s0] =	ssyncadd.s32 $0xFFFFE000  }
0x8f: {  	[hbm4b:s11+s2] =	stream.linear.scatter [tilespmem:s23], [sflag:$0x7], $0x2000, $0x38;
	[tilespmem:$0xE400] =	vst v63  }
0x90: {  	_ =	swait.ge [sflag:s29], $0x2000  }
0x91: {  	[sflag:s29] =	ssyncset.done $0x0  }
0x92: {  	[sflag:s29] =	ssyncadd.s32 $0xFFFFE000  }
0x93: {  	[hbm4b:s12+s2] =	stream.linear.scatter [tilespmem:s25], [sflag:$0x8], $0x2000, $0x38;
	[tilespmem:$0xE400] =	vst v63  }
0x94: {  	_ =	swait.ge [sflag:s28], $0x2000  }
0x95: {  	[sflag:s28] =	ssyncset.done $0x0  }
0x96: {  	[sflag:s28] =	ssyncadd.s32 $0xFFFFE000  }
0x97: {  	_ =	swait.ge [sflag:s31], $0x2000  }
0x98: {  	[sflag:s31] =	ssyncset.done $0x0  }
0x99: {  	s24 =	sadd.s32 $0x1, s24;
	[sflag:s31] =	ssyncadd.s32 $0xFFFFE000  }
0x9a: {  	p0 =	sne.s32 s24, s13;
	_ =	swait.ge [sflag:s22], $0x2000  }
.Ltmp1:
0x9b: {  	[sflag:s22] =	ssyncset.done $0x0;
	(pc) =	sbr.rel @p0 .LBB2_1-.Ltmp1, $4  }
0x9c: {  	[sflag:s22] =	ssyncadd.s32 $0xFFFFE000  }
0x9d: {  	_ =	swait.ge [sflag:s1], $0x2000  }
0x9e: {  	[sflag:s1] =	ssyncset.done $0x0  }
0x9f: {  	[sflag:s1] =	ssyncadd.s32 $0xFFFFE000  }
0xa0: {  	_ =	sfence.sel $0x180000  }
0xa1: {  	[bflag:$0x0] =	sbarrier.arrive $0xFFFF  }
0xa2: {  	_ =	strace $0x90000047  }
0xa3: {  	s0 =	stileid.u32;
	[bflag:$0x2] =	sbarrier.arrive $0xFFFF  }
0xa4: {  	p0 =	sne.s32 s0, $0x0;
	s0 =	rddreg [dreg:$0x2]  }
0xa5: {  	s0 =	sadd.s32 @!p0 $0x100000, s0  }
0xa6: {  	[sflag:s0] =	ssyncadd.tile.s32 @!p0 $0x1;
	_ =	shalt  }
.Lfunc_end2:
_tile_overlayer_lowered:
.L_overlay_start_2:
0xa7: {  	(tag) =	ssettag $0x2  }
0xa8: {  	s0 =	rddreg [dreg:$0x0];
	s2 =	stileid.u32  }
0xa9: {  	s1 =	rddreg [dreg:$0x1];
	p0 =	sne.s32 s2, $0x0  }
0xaa: {  	s3 =	rddreg [dreg:$0x2];
	[bflag:$0x3] =	sbarrier.arrive $0xFFFF;
	s2 =	simm.s32 @!p0 $0x1C09  }
0xab: {  	[timem:s3], [sflag:s2] =	dma.local @!p0 [hbm:s0], s1  }
0xac: {  	s0 =	simm.s32 @!p0 $0x9  }
0xad: {  	_ =	swait.ge @!p0 [sflag:s0], s1  }
0xae: {  	s1 =	ssub.s32 @!p0 $0x0, s1;
	[sflag:s0] =	ssyncset.done @!p0 $0x0  }
0xaf: {  	[sflag:s0] =	ssyncadd.s32 @!p0 s1  }
0xb0: {  	[bflag:$0x3] =	sbarrier.arrive $0xFFFF  }
0xb1: {  	_ =	shalt  }

// kernel: sparse-core-data-format-call.cloned.1.call-start
scs
called_computation_lowered:
.L_overlay_start_0:
0x0: {  	s2 =	sld [smem:$0x3FD9]  }
0x1: {  	s3 =	sld [smem:$0x3FFE];
	_ =	sdelay $0x1  }
0x2: {  	s1 =	srdreg.scid  }
0x3: {  	s0 =	sand.u32 $0x1, s1  }
0x4: {  	s18 =	sshll.u32 s0, $0xA;
	s2 =	sadd.s32 s3, s2  }
0x5: {  	s2 =	sadd.s32 s2, s18  }
0x6: {  	[smem:$0x3FC6] =	sst s2  }
0x7: {  	_ = 	snop  }
0x8: {  	s2 =	sld [smem:$0x3FD0];
	(tm) =	ssettm $0x1  }
0x9: {  	s19 =	sld [smem:$0x3FFB];
	_ =	sdelay $0x3  }
0xa: {  	_ =	strace s19  }
0xb: {  	s3 =	sld [smem:$0x3FFC];
	_ =	sdelay $0x3  }
0xc: {  	_ =	strace s3  }
0xd: {  	s3 =	sld [smem:$0x3FFD];
	_ =	sdelay $0x3  }
0xe: {  	_ =	strace s3  }
0xf: {  	_ =	strace $0x8FFFFFFF  }
0x10: {  	s20 =	sld [smem:$0x3FDB];
	_ =	sdelay $0x1  }
0x11: {  	s4 =	simm.s32 $_scs_section_size  }
0x12: {  	s5 =	simm.s32 $_size__tile_overlayer_lowered;
	s6 =	simm.s32 $_tile_overlayer_lowered  }
0x13: {  	s23 =	simm.s32 $0x1BFF;
	s22 =	sshll.u32 s6, $0x1;
	s3 =	sadd.s32 s4, s20  }
0x14: {  	s7 =	simm.s32 $0x0;
	s21 =	sshll.u32 s5, $0x1;
	s5 =	sadd.s32 s22, s3  }
0x15: {  	[timem:s7], [sflag:s23] =	dma.local [hbm:s5], s21  }
0x16: {  	_ =	swait.ge [sflag:s23], s21  }
0x17: {  	s4 =	ssub.s32 $0x0, s21;
	[sflag:s23] =	ssyncset.done $0x0  }
0x18: {  	[sflag:s23] =	ssyncadd.s32 s4;
	_ =	sdelay $0x1  }
0x19: {  	s24 =	simm.s32 $0x1B8B  }
0x1a: {  	_ =	swait.ge [sflag:s24], $0x1  }
0x1b: {  	[sflag:s24] =	ssyncset.done $0x0  }
0x1c: {  	s26 =	simm.s32 $0x1B8E;
	s25 =	sld [smem:$0x3FFE];
	[sflag:s24] =	ssyncadd.s32 $0xFFFFFFFF  }
0x1d: {  	s27 =	simm.s32 $execute0_lowered;
	[smem:$0x3FD2] =	sst s26  }
0x1e: {  	s5 =	sshll.u32 s27, $0x1;
	_ =	strace $0x80000049;
	[dreg:$0x1] =	wrdreg $0xFFFFFFFF  }
0x1f: {  	s28 =	simm.s32 $_size_execute0_lowered;
	s3 =	sadd.s32 s3, s5;
	[dreg:$0x0] =	wrdreg $0x0  }
0x20: {  	s5 =	sshll.u32 s28, $0x1;
	[dreg:$0x2] =	wrdreg s3  }
0x21: {  	[dreg:$0x3] =	wrdreg s5  }
0x22: {  	[dreg:$0x4] =	wrdreg $0xC0  }
0x23: {  	_ =	task [dreg:s7], $0x5FFFF  }
0x24: {  	[dreg:$0x1] =	wrdreg $0xFFFFFFFF  }
0x25: {  	[dreg:$0x0] =	wrdreg $0x60  }
0x26: {  	[dreg:$0x2] =	wrdreg s25  }
0x27: {  	[dreg:$0x3] =	wrdreg s2  }
0x28: {  	[dreg:$0x4] =	wrdreg $0x9  }
0x29: {  	_ =	task.clear_ibuf [dreg:s7], $0x5FFFF;
	_ =	strace $0x90000049  }
0x2a: {  	s29 =	simm.s32 $0x9;
	_ =	strace $0x8000004B  }
0x2b: {  	_ =	swait.ge [sflag:s29], $0x1  }
0x2c: {  	[sflag:s29] =	ssyncadd.s32 $0xFFFFFFFF  }
0x2d: {  	_ =	strace $0x9000004B  }
0x2e: {  	_ =	sfence  }
0x2f: {  	s30 =	sld [smem:$0x0];
	_ =	sdelay $0x2  }
0x30: {  	s31 =	sshll.u32 s1, $0xD;
	s1 =	sshrl.u32 s1, $0x2  }
0x31: {  	s3 =	sand.u32 $0x4000, s31;
	s1 =	sadd.s32 s1, s30  }
0x32: {  	s0 =	sor.u32 s3, s0;
	s1 =	sshll.u32 s1, $0x11  }
0x33: {  	s0 =	sor.u32 s1, s0  }
0x34: {  	s0 =	sadd.s32 $0x8F2B, s0  }
0x35: {  	[sflag:s0] =	ssyncadd.remote.s32 $0x1  }
0x36: {  	_ =	sfence.sel $0xFFFF  }
0x37: {  	[dreg:$0x0] =	wrdreg $0xFFFFFFFF;
	(pc) =	sbr.abs _section_cstart, $3  }
0x38: {  	[dreg:$0x1] =	wrdreg $0xFFFFFFFF  }
0x39: {  	_ =	task.clear_ibuf [dreg:s7], $0x2FFFF;
	_ =	strace $0x9FFFFFFF  }
0x3a: {  	(tm) =	ssettm $0x7FFFFFFF  }
0x3b: {  	_ =	shalt  }
tec
execute0_lowered:
.L_overlay_start_1:
0x0: {  	(tag) =	ssettag $0x1  }
0x1: {  	s0 =	srdreg.scid  }
0x2: {  	s1 =	sshll.u32 s0, $0x4  }
0x3: {  	s0 =	stileid.u32;
	s1 =	sand.u32 $0x10, s1  }
0x4: {  	s1 =	sor.u32 s0, s1  }
0x5: {  	s6 =	rddreg [dreg:$0x0];
	s4 =	simm.s32 $0x1;
	s2 =	sshll.u32 s1, $0x7  }
0x6: {  	s7 =	simm.s32 $0x2;
	s12 =	simm.s32 $0x0;
	s1 =	ssub.s32 $0x1000, s2  }
0x7: {  	s8 =	simm.s32 $0x8000;
	s13 =	simm.s32 $0x0;
	s3 =	sand.u32 $0xF80, s1  }
0x8: {  	s9 =	simm.s32 $0x0;
	s5 =	sshrl.u32 s1, $0xC;
	p0 =	sne.s32 s3, $0x0  }
.Ltmp0:
0x9: {  	s1 =	rddreg [dreg:$0x2];
	s4 =	simm.s32 @!p0 $0x0;
	(pc) =	sbr.rel .LBB1_1-.Ltmp0, $4  }
0xa: {  	s11 =	simm.s32 $0x0;
	s3 =	rddreg [dreg:$0x1];
	s5 =	sadd.s32 s4, s5  }
0xb: {  	_ =	strace $0x8000004A;
	s4 =	simm.s32 $0x1;
	s5 =	smul.u32 $0xC8, s5  }
0xc: {  	s6 =	sadd.s32 $0x800, s6;
	s10 =	smov.u32 s2;
	[sflag:s4] =	ssyncpa.u1 $0x0  }
0xd: {  	p0 =	por $0x0, $0x0;
	[sflag:s7] =	ssyncpa.u1 $0x0;
	s7 =	sor.u32 $0x1, s5  }
.LBB1_4:
0xe: {  	s16 =	sshll.u32 s13, $0x3;
	s17 =	sand.u32 $0x78, s13  }
0xf: {  	s30 =	sand.u32 $0x7E00, s13;
	s12 =	sshll.u32 s12, $0xF;
	s16 =	sand.u32 $0xC00, s16  }
0x10: {  	[tilespmem:s15+$0x810 ss:$0x81] =	vst.msk $0xffff, v2;
	s31 =	sand.u32 $0x7, s13;
	s16 =	sor.u32 s17, s16;
	s17 =	sadd.s32 s3, s30  }
0x11: {  	[tilespmem:s15+$0x1020 ss:$0x81] =	vst.msk $0xffff, v0;
	s13 =	sshll.u32 s31, $0x12;
	s12 =	sadd.s32 s12, s17;
	s16 =	sshrl.u32 s16, $0x3  }
0x12: {  	[tilespmem:s15+$0x0 ss:$0x81] =	vst.msk $0xffff, v1;
	s13 =	sor.u32 $0x400, s13;
	s12 =	sadd.s32 s16, s12  }
0x13: {  	[hbm4b:s12+s13] =	stream.strided.scatter [tilespmem:s14], [sflag:$0x2], $0x2000, s8, s13, $0x20;
	[tilespmem:$0x8080] =	vst v63  }
.LBB1_5:
0x14: {  	s14 =	sadd.s32 $0x1, s9  }
0x15: {  	s12 =	sadd.s32 $0x1000, s10;
	s16 =	smov.u32 s10;
	p2 =	sgt.s32 s14, $0xC7  }
0x16: {  	s16 =	smov.u32 @p2 s12  }
0x17: {  	s14 =	simm.s32 @p2 $0x0;
	p2 =	sgt.s32 s16, $0xFFF  }
0x18: {  	s16 =	smov.u32 @p2 s2;
	p2 =	sne.s32 s11, s7  }
.Ltmp1:
0x19: {  	p1 =	slt.u32 s11, $0x2;
	(pc) =	sbr.rel @!p2 .LBB1_6-.Ltmp1, $4  }
0x1a: {  	s15 =	simm.s32 @!p1 $0x2  }
0x1b: {  	s13 =	smov.u32 s10;
	p0 =	por !p0, !p0;
	_ =	swait.ge @!p1 [sflag:s15], $0x2000  }
0x1c: {  	s12 =	smov.u32 s9;
	[sflag:s15] =	ssyncset.done @!p1 $0x0;
	s9 =	smov.u32 s14  }
0x1d: {  	s11 =	sadd.s32 $0x1, s11;
	[sflag:s15] =	ssyncadd.s32 @!p1 $0xFFFFE000;
	s10 =	smov.u32 s16  }
.LBB1_1:
0x1e: {  	p1 =	sge.u32 s11, s5  }
0x1f: {  	s14 =	sand.u32 @!p1 $0x1FFFFFF, s9  }
0x20: {  	s15 =	smulhi.u32 @!p1 $0x147AE15, s14;
	_ =	sdelay $0x1  }
0x21: {  	s15 =	smul.u32 @!p1 $0xC8, s15  }
0x22: {  	s16 =	sxor.u32 @!p1 $0xFFFFFFFF, s11;
	s17 =	smul.u32 @!p1 $0xC80, s10  }
0x23: {  	s31 =	sadd.s32 $0xFFFFFFFF, s11;
	s16 =	sshll.u32 @!p1 s16, $0xD;
	s14 =	ssub.s32 @!p1 s14, s15  }
0x24: {  	s15 =	sand.u32 @!p1 $0x2000, s16;
	s16 =	sadd.s32 @!p1 s6, s17;
	s14 =	sshll.u32 @!p1 s14, $0x4  }
0x25: {  	s17 =	simm.s32 @!p1 $0x6400;
	s14 =	sadd.s32 @!p1 s14, s16;
	s16 =	simm.s32 @!p1 $0x40  }
0x26: {  	[tilespmem:s15], [sflag:$0x1] =	stream.strided.gather @!p1 [hbm4b:s14+s16], $0x2000, s17, s16, $0x38;
	[tilespmem:$0x8080] =	vst v63  }
0x27: {  	p1 =	sge.u32 s31, s5  }
.Ltmp2:
0x28: {  	_ = 	snop;
	(pc) =	sbr.rel @p1 .LBB1_5-.Ltmp2, $1  }
0x29: {  	_ =	sdelay $0x3  }
0x2a: {  	s14 =	simm.s32 $0x1  }
0x2b: {  	_ =	swait.ge [sflag:s4], $0x2000;
	s14 =	simm.s32 @!p0 $0x0  }
0x2c: {  	[sflag:s4] =	ssyncset.done $0x0;
	s15 =	sshll.u32 s14, $0xD  }
0x2d: {  	[sflag:s4] =	ssyncadd.s32 $0xFFFFE000;
	s18 =	sor.u32 $0x20, s15  }
0x2e: {  	s14 =	smul.u32 $0x8100, s14;
	v3 =	vld [tilespmem:s18+$0x10]  }
0x2f: {  	s30 =	sand.u32 $0x1, s11;
	v2 =	vld [tilespmem:s18+$0xFFFFFFF0]  }
0x30: {  	s15 =	smul.u32 $0x8100, s30;
	s14 =	sshrl.u32 s14, $0x2;
	v0 =	vld [tilespmem:s18+$0x0]  }
0x31: {  	v1 =	vld [tilespmem:s18+$0xFFFFFFE0];
	s16 =	sor.u32 $0x4000, s14  }
0x32: {  	s31 =	sshrl.u32 s15, $0x2;
	s15 =	sadd.s32 $0x0, s16  }
0x33: {  	s17 =	simm.s32 $0x4;
	s18 =	sadd.s32 $0x40, s18;
	s14 =	sor.u32 $0x4000, s31;
	[tilespmem:s15+$0x1830 ss:$0x81] =	vst.msk $0xffff, v3  }
.LBB1_3:
0x34: {  	v3 =	vld [tilespmem:s18+$0x10];
	p1 =	sne.s32 s17, $0x1FC;
	[tilespmem:s15+$0x810 ss:$0x81] =	vst.msk $0xffff, v2;
	s19 =	smov.u32 s17;
	s17 =	sadd.s32 $0x4, s17  }
.Ltmp3:
0x35: {  	v2 =	vld [tilespmem:s18+$0xFFFFFFF0];
	[tilespmem:s15+$0x1020 ss:$0x81] =	vst.msk $0xffff, v0;
	(pc) =	sbr.rel @p1 .LBB1_3-.Ltmp3, $4  }
0x36: {  	v0 =	vld [tilespmem:s18+$0x0];
	[tilespmem:s15+$0x0 ss:$0x81] =	vst.msk $0xffff, v1  }
0x37: {  	s15 =	sshra.s32 s19, $0x2;
	v1 =	vld [tilespmem:s18+$0xFFFFFFE0]  }
0x38: {  	s15 =	sadd.s32 s15, s16  }
0x39: {  	s18 =	sadd.s32 $0x40, s18;
	[tilespmem:s15+$0x1830 ss:$0x81] =	vst.msk $0xffff, v3  }
.Ltmp4:
0x3a: {  	_ = 	snop;
	(pc) =	sbr.rel .LBB1_4-.Ltmp4, $1  }
0x3b: {  	_ =	sdelay $0x3  }
.LBB1_6:
0x3c: {  	_ =	sfence.sel $0x180000  }
0x3d: {  	s2 =	simm.s32 $0x1;
	[bflag:$0x0] =	sbarrier.arrive $0xFFFF  }
0x3e: {  	s31 =	simm.s32 $0x2;
	[sflag:s2] =	ssyncpa.u1 $0x1  }
0x3f: {  	[sflag:s31] =	ssyncpa.u1 $0x1  }
0x40: {  	p0 =	sne.s32 s0, $0x0;
	_ =	strace $0x9000004A  }
0x41: {  	s0 =	sadd.s32 @!p0 $0x100000, s1;
	[bflag:$0x2] =	sbarrier.arrive $0xFFFF  }
0x42: {  	[sflag:s0] =	ssyncadd.tile.s32 @!p0 $0x1;
	_ =	shalt  }
.Lfunc_end1:
_tile_overlayer_lowered:
.L_overlay_start_2:
0x43: {  	(tag) =	ssettag $0x2  }
0x44: {  	s0 =	rddreg [dreg:$0x0];
	s2 =	stileid.u32  }
0x45: {  	s1 =	rddreg [dreg:$0x1];
	p0 =	sne.s32 s2, $0x0  }
0x46: {  	s3 =	rddreg [dreg:$0x2];
	[bflag:$0x3] =	sbarrier.arrive $0xFFFF;
	s2 =	simm.s32 @!p0 $0x1C01  }
0x47: {  	[timem:s3], [sflag:s2] =	dma.local @!p0 [hbm:s0], s1  }
0x48: {  	s0 =	simm.s32 @!p0 $0x1  }
0x49: {  	_ =	swait.ge @!p0 [sflag:s0], s1  }
0x4a: {  	s1 =	ssub.s32 @!p0 $0x0, s1;
	[sflag:s0] =	ssyncset.done @!p0 $0x0  }
0x4b: {  	[sflag:s0] =	ssyncadd.s32 @!p0 s1  }
0x4c: {  	[bflag:$0x3] =	sbarrier.arrive $0xFFFF  }
0x4d: {  	_ =	shalt  }

</sc_bundles>
